<compile_context>
chip_gen: v7x
topology: tpu7x:2x2x1
jax: 0.10.2.dev20260603
libtpu: 0.0.44.dev20260713+nightly
codegen_flags: <defaults>
</compile_context>

<pallas_src>
import functools

import jax
import jax.numpy as jnp
from jax import lax
from jax.experimental import pallas as pl
from jax.experimental.pallas import tpu as pltpu
from jax.experimental.pallas import tpu_sc as plsc

N_REGIONS = 64
TEXT_LEN = 512
VOCAB = 256
D_MODEL = 128

NC = 2
NS = 16
NW = NC * NS
RPW = N_REGIONS // NW
LANES = 16
SUB = VOCAB * LANES


def _sc_hist_body(ids_hbm, counts_hbm, ids_v, c16_v, out_v):
    wid = lax.axis_index("s") * NC + lax.axis_index("c")
    lane = lax.broadcasted_iota(jnp.int32, (LANES,), 0)
    zeros = jnp.zeros((LANES,), jnp.float32)
    ones = jnp.ones((LANES,), jnp.float32)

    pltpu.sync_copy(ids_hbm.at[pl.ds(wid * (RPW * TEXT_LEN), RPW * TEXT_LEN)],
                    ids_v)

    def zero_step(i, c):
        for u in range(8):
            c16_v[pl.ds((i * 8 + u) * LANES, LANES)] = zeros
        return c
    lax.fori_loop(0, RPW * VOCAB // 8, zero_step, 0)

    for j in range(RPW):
        def scat_step(g, c, j=j):
            for u in range(4):
                idv = ids_v[pl.ds(j * TEXT_LEN + (g * 4 + u) * LANES, LANES)]
                plsc.addupdate_scatter(
                    c16_v, [idv * LANES + lane + (j * SUB)], ones)
            return c
        lax.fori_loop(0, TEXT_LEN // LANES // 4, scat_step, 0)

    lane16 = lane * LANES
    for j in range(RPW):
        def red_step(t, c, j=j):
            base = j * SUB + t * (LANES * LANES)
            acc = zeros
            for off in range(LANES):
                acc = acc + plsc.load_gather(c16_v, [lane16 + (base + off)])
            out_v[pl.ds(j * VOCAB + t * LANES, LANES)] = acc
            return c
        lax.fori_loop(0, VOCAB // LANES, red_step, 0)

    pltpu.sync_copy(out_v, counts_hbm.at[pl.ds(wid * (RPW * VOCAB),
                                               RPW * VOCAB)])


def _sc_histogram(ids_flat):
    mesh = plsc.VectorSubcoreMesh(core_axis_name="c", subcore_axis_name="s",
                                  num_cores=NC, num_subcores=NS)
    f = functools.partial(
        pl.kernel,
        out_type=jax.ShapeDtypeStruct((N_REGIONS * VOCAB,), jnp.float32),
        mesh=mesh,
        scratch_types=[
            pltpu.VMEM((RPW * TEXT_LEN,), jnp.int32),
            pltpu.VMEM((RPW * SUB,), jnp.float32),
            pltpu.VMEM((RPW * VOCAB,), jnp.float32),
        ],
        compiler_params=pltpu.CompilerParams(needs_layout_passes=False),
    )(_sc_hist_body)
    return f(ids_flat)


def _tc_matmul_body(counts_ref, w_ref, out_ref):
    out_ref[...] = jnp.dot(counts_ref[...], w_ref[...],
                           preferred_element_type=jnp.float32) * (1.0 / TEXT_LEN)


def kernel(ids, embed_weight):
    counts = _sc_histogram(ids.reshape(-1)).reshape(N_REGIONS, VOCAB)
    return pl.pallas_call(
        _tc_matmul_body,
        out_shape=jax.ShapeDtypeStruct((N_REGIONS, D_MODEL), jnp.float32),
        in_specs=[
            pl.BlockSpec(memory_space=pltpu.VMEM),
            pl.BlockSpec(memory_space=pltpu.VMEM),
        ],
        out_specs=pl.BlockSpec(memory_space=pltpu.VMEM),
    )(counts, embed_weight)

# --- scband reference (transcript-rebuilt; emitter-appended) ---
"""Pipeline reference for scband-document-embedder-65687229825329 (READ-ONLY COPY).

The authoritative reference and input builder live on the scoring server;
editing this copy changes nothing except your own understanding.
"""

import jax, jax.numpy as jnp
import numpy as np

VOCAB_SIZE = 256
D_MODEL = 128
MAX_REGIONS = 64
MAX_TEXT_LEN = 512


def setup_inputs(seed: int = 0) -> dict:
    key = jax.random.key(seed)
    k_ids, k_emb = jax.random.split(key)
    # char ids for each region's text: ord(c) % vocab_size -> uniform in [0, 256)
    ids = jax.random.randint(k_ids, (MAX_REGIONS, MAX_TEXT_LEN), 0, VOCAB_SIZE, dtype=jnp.int32)
    # learned embedding table (nn.Embedding weight), default init ~ N(0, 1)
    embed_weight = jax.random.normal(k_emb, (VOCAB_SIZE, D_MODEL), dtype=jnp.float32)
    return {"ids": ids, "embed_weight": embed_weight}


def reference(ids, embed_weight):
    # Faithful translation of DocumentEmbedder.forward after tokenisation:
    # for each region: embed char ids, mean-pool over the text sequence,
    # then stack region vectors -> (N_regions, d_model).
    emb = jnp.take(embed_weight, ids, axis=0)   # (N, L, d_model) gather
    pooled = emb.mean(axis=1)                    # mean over text length per region
    return pooled                                # (N, d_model)

if __name__ == "__main__":
    import jax
    _d = setup_inputs()
    print(jax.jit(kernel)(*tuple(_d.values())))

</pallas_src>

<mosaic_0001>
#map = affine_map<(d0, d1) -> (0)>
module attributes {stable_mosaic.version = 14 : i64} {
  func.func @_sc_hist_body(%arg0: i32, %arg1: i32, %arg2: memref<32768xi32, #tpu.memory_space<hbm>>, %arg3: memref<16384xf32, #tpu.memory_space<hbm>>, %arg4: memref<1024xi32, #tpu.memory_space<vmem>>, %arg5: memref<8192xf32, #tpu.memory_space<vmem>>, %arg6: memref<512xf32, #tpu.memory_space<vmem>>) attributes {dimension_semantics = [#tpu.dimension_semantics<core_parallel>, #tpu.dimension_semantics<subcore_parallel>], iteration_bounds = array<i64: 2, 16>, scalar_prefetch = 0 : i64, scratch_operands = 3 : i64, tpu.core_type = #tpu.core_type<sc_vector_subcore>, window_params = [{transform_indices = #map}, {transform_indices = #map}]} {
    %mul3A = arith.constant 2 : i32
    %mul3A_0 = arith.muli %arg1, %mul3A : i32
    %add3A = arith.addi %mul3A_0, %arg0 : i32
    %iota3A = tpu.iota {dimensions = array<i32: 0>} : vector<16xi32>
    %broadcast_in_dim3A = arith.constant 0.000000e+00 : f32
    %broadcast_in_dim3A_1 = vector.broadcast %broadcast_in_dim3A : f32 to vector<16xf32>
    %broadcast_in_dim3A_2 = arith.constant 1.000000e+00 : f32
    %broadcast_in_dim3A_3 = vector.broadcast %broadcast_in_dim3A_2 : f32 to vector<16xf32>
    %mul3A_4 = arith.constant 1024 : i32
    %mul3A_5 = arith.muli %add3A, %mul3A_4 : i32
    "tpu.region"() ({
      %run_scoped3A = tpu.sem_alloc : memref<!tpu.dma_semaphore, #tpu.memory_space<semaphore_mem>>
      %dma_start3A = tpu.memref_slice %arg2[%mul3A_5] : memref<32768xi32, #tpu.memory_space<hbm>> -> memref<1024xi32, #tpu.memory_space<hbm>>
      %dma_start3A_40 = tpu.memref_slice %arg2[%mul3A_5] : memref<32768xi32, #tpu.memory_space<hbm>> -> memref<1024xi32, #tpu.memory_space<hbm>>
      tpu.enqueue_dma source(%dma_start3A_40 : memref<1024xi32, #tpu.memory_space<hbm>>) target(%arg4 : memref<1024xi32, #tpu.memory_space<vmem>>) target_semaphore(%run_scoped3A : memref<!tpu.dma_semaphore, #tpu.memory_space<semaphore_mem>>)
      %dma_wait3A = tpu.memref_slice %arg2[%mul3A_5] : memref<32768xi32, #tpu.memory_space<hbm>> -> memref<1024xi32, #tpu.memory_space<hbm>>
      %dma_wait3A_41 = tpu.memref_slice %arg2[%mul3A_5] : memref<32768xi32, #tpu.memory_space<hbm>> -> memref<1024xi32, #tpu.memory_space<hbm>>
      tpu.wait_dma2 semaphore(%run_scoped3A : memref<!tpu.dma_semaphore, #tpu.memory_space<semaphore_mem>>) src(%dma_wait3A_41 : memref<1024xi32, #tpu.memory_space<hbm>>) dst(%arg4 : memref<1024xi32, #tpu.memory_space<vmem>>)
      tpu.yield
    }) : () -> ()
    %scan3A = arith.constant 0 : i32
    %scan3A_6 = arith.constant 0 : i32
    %scan3A_7 = arith.constant 64 : i32
    %scan3A_8 = arith.addi %scan3A_6, %scan3A_7 : i32
    %scan3A_9 = arith.constant 1 : i32
    scf.for %scan3A_40 = %scan3A_6 to %scan3A_8 step %scan3A_9  : i32 {
      %mul3A_41 = arith.constant 8 : i32
      %mul3A_42 = arith.muli %scan3A_40, %mul3A_41 : i32
      %add3A_43 = arith.constant 0 : i32
      %add3A_44 = arith.addi %mul3A_42, %add3A_43 : i32
      %mul3A_45 = arith.constant 16 : i32
      %mul3A_46 = arith.muli %add3A_44, %mul3A_45 : i32
      %swap3A = arith.index_cast %mul3A_46 : i32 to index
      %swap3A_47 = tpu.vector_load %arg5[%swap3A] {strides = array<i32>} : memref<8192xf32, #tpu.memory_space<vmem>>, vector<16xf32>,
      tpu.vector_store %arg5[%swap3A], %broadcast_in_dim3A_1 {strides = array<i32>} : memref<8192xf32, #tpu.memory_space<vmem>>, vector<16xf32>,
      %mul3A_48 = arith.constant 8 : i32
      %mul3A_49 = arith.muli %scan3A_40, %mul3A_48 : i32
      %add3A_50 = arith.constant 1 : i32
      %add3A_51 = arith.addi %mul3A_49, %add3A_50 : i32
      %mul3A_52 = arith.constant 16 : i32
      %mul3A_53 = arith.muli %add3A_51, %mul3A_52 : i32
      %swap3A_54 = arith.index_cast %mul3A_53 : i32 to index
      %swap3A_55 = tpu.vector_load %arg5[%swap3A_54] {strides = array<i32>} : memref<8192xf32, #tpu.memory_space<vmem>>, vector<16xf32>,
      tpu.vector_store %arg5[%swap3A_54], %broadcast_in_dim3A_1 {strides = array<i32>} : memref<8192xf32, #tpu.memory_space<vmem>>, vector<16xf32>,
      %mul3A_56 = arith.constant 8 : i32
      %mul3A_57 = arith.muli %scan3A_40, %mul3A_56 : i32
      %add3A_58 = arith.constant 2 : i32
      %add3A_59 = arith.addi %mul3A_57, %add3A_58 : i32
      %mul3A_60 = arith.constant 16 : i32
      %mul3A_61 = arith.muli %add3A_59, %mul3A_60 : i32
      %swap3A_62 = arith.index_cast %mul3A_61 : i32 to index
      %swap3A_63 = tpu.vector_load %arg5[%swap3A_62] {strides = array<i32>} : memref<8192xf32, #tpu.memory_space<vmem>>, vector<16xf32>,
      tpu.vector_store %arg5[%swap3A_62], %broadcast_in_dim3A_1 {strides = array<i32>} : memref<8192xf32, #tpu.memory_space<vmem>>, vector<16xf32>,
      %mul3A_64 = arith.constant 8 : i32
      %mul3A_65 = arith.muli %scan3A_40, %mul3A_64 : i32
      %add3A_66 = arith.constant 3 : i32
      %add3A_67 = arith.addi %mul3A_65, %add3A_66 : i32
      %mul3A_68 = arith.constant 16 : i32
      %mul3A_69 = arith.muli %add3A_67, %mul3A_68 : i32
      %swap3A_70 = arith.index_cast %mul3A_69 : i32 to index
      %swap3A_71 = tpu.vector_load %arg5[%swap3A_70] {strides = array<i32>} : memref<8192xf32, #tpu.memory_space<vmem>>, vector<16xf32>,
      tpu.vector_store %arg5[%swap3A_70], %broadcast_in_dim3A_1 {strides = array<i32>} : memref<8192xf32, #tpu.memory_space<vmem>>, vector<16xf32>,
      %mul3A_72 = arith.constant 8 : i32
      %mul3A_73 = arith.muli %scan3A_40, %mul3A_72 : i32
      %add3A_74 = arith.constant 4 : i32
      %add3A_75 = arith.addi %mul3A_73, %add3A_74 : i32
      %mul3A_76 = arith.constant 16 : i32
      %mul3A_77 = arith.muli %add3A_75, %mul3A_76 : i32
      %swap3A_78 = arith.index_cast %mul3A_77 : i32 to index
      %swap3A_79 = tpu.vector_load %arg5[%swap3A_78] {strides = array<i32>} : memref<8192xf32, #tpu.memory_space<vmem>>, vector<16xf32>,
      tpu.vector_store %arg5[%swap3A_78], %broadcast_in_dim3A_1 {strides = array<i32>} : memref<8192xf32, #tpu.memory_space<vmem>>, vector<16xf32>,
      %mul3A_80 = arith.constant 8 : i32
      %mul3A_81 = arith.muli %scan3A_40, %mul3A_80 : i32
      %add3A_82 = arith.constant 5 : i32
      %add3A_83 = arith.addi %mul3A_81, %add3A_82 : i32
      %mul3A_84 = arith.constant 16 : i32
      %mul3A_85 = arith.muli %add3A_83, %mul3A_84 : i32
      %swap3A_86 = arith.index_cast %mul3A_85 : i32 to index
      %swap3A_87 = tpu.vector_load %arg5[%swap3A_86] {strides = array<i32>} : memref<8192xf32, #tpu.memory_space<vmem>>, vector<16xf32>,
      tpu.vector_store %arg5[%swap3A_86], %broadcast_in_dim3A_1 {strides = array<i32>} : memref<8192xf32, #tpu.memory_space<vmem>>, vector<16xf32>,
      %mul3A_88 = arith.constant 8 : i32
      %mul3A_89 = arith.muli %scan3A_40, %mul3A_88 : i32
      %add3A_90 = arith.constant 6 : i32
      %add3A_91 = arith.addi %mul3A_89, %add3A_90 : i32
      %mul3A_92 = arith.constant 16 : i32
      %mul3A_93 = arith.muli %add3A_91, %mul3A_92 : i32
      %swap3A_94 = arith.index_cast %mul3A_93 : i32 to index
      %swap3A_95 = tpu.vector_load %arg5[%swap3A_94] {strides = array<i32>} : memref<8192xf32, #tpu.memory_space<vmem>>, vector<16xf32>,
      tpu.vector_store %arg5[%swap3A_94], %broadcast_in_dim3A_1 {strides = array<i32>} : memref<8192xf32, #tpu.memory_space<vmem>>, vector<16xf32>,
      %mul3A_96 = arith.constant 8 : i32
      %mul3A_97 = arith.muli %scan3A_40, %mul3A_96 : i32
      %add3A_98 = arith.constant 7 : i32
      %add3A_99 = arith.addi %mul3A_97, %add3A_98 : i32
      %mul3A_100 = arith.constant 16 : i32
      %mul3A_101 = arith.muli %add3A_99, %mul3A_100 : i32
      %swap3A_102 = arith.index_cast %mul3A_101 : i32 to index
      %swap3A_103 = tpu.vector_load %arg5[%swap3A_102] {strides = array<i32>} : memref<8192xf32, #tpu.memory_space<vmem>>, vector<16xf32>,
      tpu.vector_store %arg5[%swap3A_102], %broadcast_in_dim3A_1 {strides = array<i32>} : memref<8192xf32, #tpu.memory_space<vmem>>, vector<16xf32>,
    }
    %scan3A_10 = arith.constant 64 : i32
    %scan3A_11 = arith.constant 0 : i32
    %scan3A_12 = arith.constant 0 : i32
    %scan3A_13 = arith.constant 8 : i32
    %scan3A_14 = arith.addi %scan3A_12, %scan3A_13 : i32
    %scan3A_15 = arith.constant 1 : i32
    scf.for %scan3A_40 = %scan3A_12 to %scan3A_14 step %scan3A_15  : i32 {
      %mul3A_41 = arith.constant 4 : i32
      %mul3A_42 = arith.muli %scan3A_40, %mul3A_41 : i32
      %add3A_43 = arith.constant 0 : i32
      %add3A_44 = arith.addi %mul3A_42, %add3A_43 : i32
      %mul3A_45 = arith.constant 16 : i32
      %mul3A_46 = arith.muli %add3A_44, %mul3A_45 : i32
      %add3A_47 = arith.constant 0 : i32
      %add3A_48 = arith.addi %add3A_47, %mul3A_46 : i32
      %get3A = arith.index_cast %add3A_48 : i32 to index
      %get3A_49 = tpu.vector_load %arg4[%get3A] {strides = array<i32>} : memref<1024xi32, #tpu.memory_space<vmem>>, vector<16xi32>,
      %mul3A_50 = arith.constant 16 : i32
      %mul3A_51 = vector.broadcast %mul3A_50 : i32 to vector<16xi32>
      %mul3A_52 = arith.muli %get3A_49, %mul3A_51 : vector<16xi32>
      %add3A_53 = arith.addi %mul3A_52, %iota3A : vector<16xi32>
      %add3A_54 = arith.constant 0 : i32
      %add3A_55 = vector.broadcast %add3A_54 : i32 to vector<16xi32>
      %add3A_56 = arith.addi %add3A_53, %add3A_55 : vector<16xi32>
      tpu.vector_store_idx %arg5[%add3A_56], %broadcast_in_dim3A_3 {add = true} : memref<8192xf32, #tpu.memory_space<vmem>>[vector<16xi32>], vector<16xf32>,
      %mul3A_57 = arith.constant 4 : i32
      %mul3A_58 = arith.muli %scan3A_40, %mul3A_57 : i32
      %add3A_59 = arith.constant 1 : i32
      %add3A_60 = arith.addi %mul3A_58, %add3A_59 : i32
      %mul3A_61 = arith.constant 16 : i32
      %mul3A_62 = arith.muli %add3A_60, %mul3A_61 : i32
      %add3A_63 = arith.constant 0 : i32
      %add3A_64 = arith.addi %add3A_63, %mul3A_62 : i32
      %get3A_65 = arith.index_cast %add3A_64 : i32 to index
      %get3A_66 = tpu.vector_load %arg4[%get3A_65] {strides = array<i32>} : memref<1024xi32, #tpu.memory_space<vmem>>, vector<16xi32>,
      %mul3A_67 = arith.constant 16 : i32
      %mul3A_68 = vector.broadcast %mul3A_67 : i32 to vector<16xi32>
      %mul3A_69 = arith.muli %get3A_66, %mul3A_68 : vector<16xi32>
      %add3A_70 = arith.addi %mul3A_69, %iota3A : vector<16xi32>
      %add3A_71 = arith.constant 0 : i32
      %add3A_72 = vector.broadcast %add3A_71 : i32 to vector<16xi32>
      %add3A_73 = arith.addi %add3A_70, %add3A_72 : vector<16xi32>
      tpu.vector_store_idx %arg5[%add3A_73], %broadcast_in_dim3A_3 {add = true} : memref<8192xf32, #tpu.memory_space<vmem>>[vector<16xi32>], vector<16xf32>,
      %mul3A_74 = arith.constant 4 : i32
      %mul3A_75 = arith.muli %scan3A_40, %mul3A_74 : i32
      %add3A_76 = arith.constant 2 : i32
      %add3A_77 = arith.addi %mul3A_75, %add3A_76 : i32
      %mul3A_78 = arith.constant 16 : i32
      %mul3A_79 = arith.muli %add3A_77, %mul3A_78 : i32
      %add3A_80 = arith.constant 0 : i32
      %add3A_81 = arith.addi %add3A_80, %mul3A_79 : i32
      %get3A_82 = arith.index_cast %add3A_81 : i32 to index
      %get3A_83 = tpu.vector_load %arg4[%get3A_82] {strides = array<i32>} : memref<1024xi32, #tpu.memory_space<vmem>>, vector<16xi32>,
      %mul3A_84 = arith.constant 16 : i32
      %mul3A_85 = vector.broadcast %mul3A_84 : i32 to vector<16xi32>
      %mul3A_86 = arith.muli %get3A_83, %mul3A_85 : vector<16xi32>
      %add3A_87 = arith.addi %mul3A_86, %iota3A : vector<16xi32>
      %add3A_88 = arith.constant 0 : i32
      %add3A_89 = vector.broadcast %add3A_88 : i32 to vector<16xi32>
      %add3A_90 = arith.addi %add3A_87, %add3A_89 : vector<16xi32>
      tpu.vector_store_idx %arg5[%add3A_90], %broadcast_in_dim3A_3 {add = true} : memref<8192xf32, #tpu.memory_space<vmem>>[vector<16xi32>], vector<16xf32>,
      %mul3A_91 = arith.constant 4 : i32
      %mul3A_92 = arith.muli %scan3A_40, %mul3A_91 : i32
      %add3A_93 = arith.constant 3 : i32
      %add3A_94 = arith.addi %mul3A_92, %add3A_93 : i32
      %mul3A_95 = arith.constant 16 : i32
      %mul3A_96 = arith.muli %add3A_94, %mul3A_95 : i32
      %add3A_97 = arith.constant 0 : i32
      %add3A_98 = arith.addi %add3A_97, %mul3A_96 : i32
      %get3A_99 = arith.index_cast %add3A_98 : i32 to index
      %get3A_100 = tpu.vector_load %arg4[%get3A_99] {strides = array<i32>} : memref<1024xi32, #tpu.memory_space<vmem>>, vector<16xi32>,
      %mul3A_101 = arith.constant 16 : i32
      %mul3A_102 = vector.broadcast %mul3A_101 : i32 to vector<16xi32>
      %mul3A_103 = arith.muli %get3A_100, %mul3A_102 : vector<16xi32>
      %add3A_104 = arith.addi %mul3A_103, %iota3A : vector<16xi32>
      %add3A_105 = arith.constant 0 : i32
      %add3A_106 = vector.broadcast %add3A_105 : i32 to vector<16xi32>
      %add3A_107 = arith.addi %add3A_104, %add3A_106 : vector<16xi32>
      tpu.vector_store_idx %arg5[%add3A_107], %broadcast_in_dim3A_3 {add = true} : memref<8192xf32, #tpu.memory_space<vmem>>[vector<16xi32>], vector<16xf32>,
    }
    %scan3A_16 = arith.constant 8 : i32
    %scan3A_17 = arith.constant 0 : i32
    %scan3A_18 = arith.constant 0 : i32
    %scan3A_19 = arith.constant 8 : i32
    %scan3A_20 = arith.addi %scan3A_18, %scan3A_19 : i32
    %scan3A_21 = arith.constant 1 : i32
    scf.for %scan3A_40 = %scan3A_18 to %scan3A_20 step %scan3A_21  : i32 {
      %mul3A_41 = arith.constant 4 : i32
      %mul3A_42 = arith.muli %scan3A_40, %mul3A_41 : i32
      %add3A_43 = arith.constant 0 : i32
      %add3A_44 = arith.addi %mul3A_42, %add3A_43 : i32
      %mul3A_45 = arith.constant 16 : i32
      %mul3A_46 = arith.muli %add3A_44, %mul3A_45 : i32
      %add3A_47 = arith.constant 512 : i32
      %add3A_48 = arith.addi %add3A_47, %mul3A_46 : i32
      %get3A = arith.index_cast %add3A_48 : i32 to index
      %get3A_49 = tpu.vector_load %arg4[%get3A] {strides = array<i32>} : memref<1024xi32, #tpu.memory_space<vmem>>, vector<16xi32>,
      %mul3A_50 = arith.constant 16 : i32
      %mul3A_51 = vector.broadcast %mul3A_50 : i32 to vector<16xi32>
      %mul3A_52 = arith.muli %get3A_49, %mul3A_51 : vector<16xi32>
      %add3A_53 = arith.addi %mul3A_52, %iota3A : vector<16xi32>
      %add3A_54 = arith.constant 4096 : i32
      %add3A_55 = vector.broadcast %add3A_54 : i32 to vector<16xi32>
      %add3A_56 = arith.addi %add3A_53, %add3A_55 : vector<16xi32>
      tpu.vector_store_idx %arg5[%add3A_56], %broadcast_in_dim3A_3 {add = true} : memref<8192xf32, #tpu.memory_space<vmem>>[vector<16xi32>], vector<16xf32>,
      %mul3A_57 = arith.constant 4 : i32
      %mul3A_58 = arith.muli %scan3A_40, %mul3A_57 : i32
      %add3A_59 = arith.constant 1 : i32
      %add3A_60 = arith.addi %mul3A_58, %add3A_59 : i32
      %mul3A_61 = arith.constant 16 : i32
      %mul3A_62 = arith.muli %add3A_60, %mul3A_61 : i32
      %add3A_63 = arith.constant 512 : i32
      %add3A_64 = arith.addi %add3A_63, %mul3A_62 : i32
      %get3A_65 = arith.index_cast %add3A_64 : i32 to index
      %get3A_66 = tpu.vector_load %arg4[%get3A_65] {strides = array<i32>} : memref<1024xi32, #tpu.memory_space<vmem>>, vector<16xi32>,
      %mul3A_67 = arith.constant 16 : i32
      %mul3A_68 = vector.broadcast %mul3A_67 : i32 to vector<16xi32>
      %mul3A_69 = arith.muli %get3A_66, %mul3A_68 : vector<16xi32>
      %add3A_70 = arith.addi %mul3A_69, %iota3A : vector<16xi32>
      %add3A_71 = arith.constant 4096 : i32
      %add3A_72 = vector.broadcast %add3A_71 : i32 to vector<16xi32>
      %add3A_73 = arith.addi %add3A_70, %add3A_72 : vector<16xi32>
      tpu.vector_store_idx %arg5[%add3A_73], %broadcast_in_dim3A_3 {add = true} : memref<8192xf32, #tpu.memory_space<vmem>>[vector<16xi32>], vector<16xf32>,
      %mul3A_74 = arith.constant 4 : i32
      %mul3A_75 = arith.muli %scan3A_40, %mul3A_74 : i32
      %add3A_76 = arith.constant 2 : i32
      %add3A_77 = arith.addi %mul3A_75, %add3A_76 : i32
      %mul3A_78 = arith.constant 16 : i32
      %mul3A_79 = arith.muli %add3A_77, %mul3A_78 : i32
      %add3A_80 = arith.constant 512 : i32
      %add3A_81 = arith.addi %add3A_80, %mul3A_79 : i32
      %get3A_82 = arith.index_cast %add3A_81 : i32 to index
      %get3A_83 = tpu.vector_load %arg4[%get3A_82] {strides = array<i32>} : memref<1024xi32, #tpu.memory_space<vmem>>, vector<16xi32>,
      %mul3A_84 = arith.constant 16 : i32
      %mul3A_85 = vector.broadcast %mul3A_84 : i32 to vector<16xi32>
      %mul3A_86 = arith.muli %get3A_83, %mul3A_85 : vector<16xi32>
      %add3A_87 = arith.addi %mul3A_86, %iota3A : vector<16xi32>
      %add3A_88 = arith.constant 4096 : i32
      %add3A_89 = vector.broadcast %add3A_88 : i32 to vector<16xi32>
      %add3A_90 = arith.addi %add3A_87, %add3A_89 : vector<16xi32>
      tpu.vector_store_idx %arg5[%add3A_90], %broadcast_in_dim3A_3 {add = true} : memref<8192xf32, #tpu.memory_space<vmem>>[vector<16xi32>], vector<16xf32>,
      %mul3A_91 = arith.constant 4 : i32
      %mul3A_92 = arith.muli %scan3A_40, %mul3A_91 : i32
      %add3A_93 = arith.constant 3 : i32
      %add3A_94 = arith.addi %mul3A_92, %add3A_93 : i32
      %mul3A_95 = arith.constant 16 : i32
      %mul3A_96 = arith.muli %add3A_94, %mul3A_95 : i32
      %add3A_97 = arith.constant 512 : i32
      %add3A_98 = arith.addi %add3A_97, %mul3A_96 : i32
      %get3A_99 = arith.index_cast %add3A_98 : i32 to index
      %get3A_100 = tpu.vector_load %arg4[%get3A_99] {strides = array<i32>} : memref<1024xi32, #tpu.memory_space<vmem>>, vector<16xi32>,
      %mul3A_101 = arith.constant 16 : i32
      %mul3A_102 = vector.broadcast %mul3A_101 : i32 to vector<16xi32>
      %mul3A_103 = arith.muli %get3A_100, %mul3A_102 : vector<16xi32>
      %add3A_104 = arith.addi %mul3A_103, %iota3A : vector<16xi32>
      %add3A_105 = arith.constant 4096 : i32
      %add3A_106 = vector.broadcast %add3A_105 : i32 to vector<16xi32>
      %add3A_107 = arith.addi %add3A_104, %add3A_106 : vector<16xi32>
      tpu.vector_store_idx %arg5[%add3A_107], %broadcast_in_dim3A_3 {add = true} : memref<8192xf32, #tpu.memory_space<vmem>>[vector<16xi32>], vector<16xf32>,
    }
    %scan3A_22 = arith.constant 8 : i32
    %mul3A_23 = arith.constant 16 : i32
    %mul3A_24 = vector.broadcast %mul3A_23 : i32 to vector<16xi32>
    %mul3A_25 = arith.muli %iota3A, %mul3A_24 : vector<16xi32>
    %scan3A_26 = arith.constant 0 : i32
    %scan3A_27 = arith.constant 0 : i32
    %scan3A_28 = arith.constant 16 : i32
    %scan3A_29 = arith.addi %scan3A_27, %scan3A_28 : i32
    %scan3A_30 = arith.constant 1 : i32
    scf.for %scan3A_40 = %scan3A_27 to %scan3A_29 step %scan3A_30  : i32 {
      %mul3A_41 = arith.constant 256 : i32
      %mul3A_42 = arith.muli %scan3A_40, %mul3A_41 : i32
      %add3A_43 = arith.constant 0 : i32
      %add3A_44 = arith.addi %add3A_43, %mul3A_42 : i32
      %add3A_45 = arith.constant 0 : i32
      %add3A_46 = arith.addi %add3A_44, %add3A_45 : i32
      %add3A_47 = vector.broadcast %add3A_46 : i32 to vector<16xi32>
      %add3A_48 = arith.addi %mul3A_25, %add3A_47 : vector<16xi32>
      %gather3A = tpu.vector_load_idx %arg5[%add3A_48] : memref<8192xf32, #tpu.memory_space<vmem>>[vector<16xi32>], vector<16xf32>,
      %add3A_49 = arith.addf %broadcast_in_dim3A_1, %gather3A : vector<16xf32>
      %add3A_50 = arith.constant 1 : i32
      %add3A_51 = arith.addi %add3A_44, %add3A_50 : i32
      %add3A_52 = vector.broadcast %add3A_51 : i32 to vector<16xi32>
      %add3A_53 = arith.addi %mul3A_25, %add3A_52 : vector<16xi32>
      %gather3A_54 = tpu.vector_load_idx %arg5[%add3A_53] : memref<8192xf32, #tpu.memory_space<vmem>>[vector<16xi32>], vector<16xf32>,
      %add3A_55 = arith.addf %add3A_49, %gather3A_54 : vector<16xf32>
      %add3A_56 = arith.constant 2 : i32
      %add3A_57 = arith.addi %add3A_44, %add3A_56 : i32
      %add3A_58 = vector.broadcast %add3A_57 : i32 to vector<16xi32>
      %add3A_59 = arith.addi %mul3A_25, %add3A_58 : vector<16xi32>
      %gather3A_60 = tpu.vector_load_idx %arg5[%add3A_59] : memref<8192xf32, #tpu.memory_space<vmem>>[vector<16xi32>], vector<16xf32>,
      %add3A_61 = arith.addf %add3A_55, %gather3A_60 : vector<16xf32>
      %add3A_62 = arith.constant 3 : i32
      %add3A_63 = arith.addi %add3A_44, %add3A_62 : i32
      %add3A_64 = vector.broadcast %add3A_63 : i32 to vector<16xi32>
      %add3A_65 = arith.addi %mul3A_25, %add3A_64 : vector<16xi32>
      %gather3A_66 = tpu.vector_load_idx %arg5[%add3A_65] : memref<8192xf32, #tpu.memory_space<vmem>>[vector<16xi32>], vector<16xf32>,
      %add3A_67 = arith.addf %add3A_61, %gather3A_66 : vector<16xf32>
      %add3A_68 = arith.constant 4 : i32
      %add3A_69 = arith.addi %add3A_44, %add3A_68 : i32
      %add3A_70 = vector.broadcast %add3A_69 : i32 to vector<16xi32>
      %add3A_71 = arith.addi %mul3A_25, %add3A_70 : vector<16xi32>
      %gather3A_72 = tpu.vector_load_idx %arg5[%add3A_71] : memref<8192xf32, #tpu.memory_space<vmem>>[vector<16xi32>], vector<16xf32>,
      %add3A_73 = arith.addf %add3A_67, %gather3A_72 : vector<16xf32>
      %add3A_74 = arith.constant 5 : i32
      %add3A_75 = arith.addi %add3A_44, %add3A_74 : i32
      %add3A_76 = vector.broadcast %add3A_75 : i32 to vector<16xi32>
      %add3A_77 = arith.addi %mul3A_25, %add3A_76 : vector<16xi32>
      %gather3A_78 = tpu.vector_load_idx %arg5[%add3A_77] : memref<8192xf32, #tpu.memory_space<vmem>>[vector<16xi32>], vector<16xf32>,
      %add3A_79 = arith.addf %add3A_73, %gather3A_78 : vector<16xf32>
      %add3A_80 = arith.constant 6 : i32
      %add3A_81 = arith.addi %add3A_44, %add3A_80 : i32
      %add3A_82 = vector.broadcast %add3A_81 : i32 to vector<16xi32>
      %add3A_83 = arith.addi %mul3A_25, %add3A_82 : vector<16xi32>
      %gather3A_84 = tpu.vector_load_idx %arg5[%add3A_83] : memref<8192xf32, #tpu.memory_space<vmem>>[vector<16xi32>], vector<16xf32>,
      %add3A_85 = arith.addf %add3A_79, %gather3A_84 : vector<16xf32>
      %add3A_86 = arith.constant 7 : i32
      %add3A_87 = arith.addi %add3A_44, %add3A_86 : i32
      %add3A_88 = vector.broadcast %add3A_87 : i32 to vector<16xi32>
      %add3A_89 = arith.addi %mul3A_25, %add3A_88 : vector<16xi32>
      %gather3A_90 = tpu.vector_load_idx %arg5[%add3A_89] : memref<8192xf32, #tpu.memory_space<vmem>>[vector<16xi32>], vector<16xf32>,
      %add3A_91 = arith.addf %add3A_85, %gather3A_90 : vector<16xf32>
      %add3A_92 = arith.constant 8 : i32
      %add3A_93 = arith.addi %add3A_44, %add3A_92 : i32
      %add3A_94 = vector.broadcast %add3A_93 : i32 to vector<16xi32>
      %add3A_95 = arith.addi %mul3A_25, %add3A_94 : vector<16xi32>
      %gather3A_96 = tpu.vector_load_idx %arg5[%add3A_95] : memref<8192xf32, #tpu.memory_space<vmem>>[vector<16xi32>], vector<16xf32>,
      %add3A_97 = arith.addf %add3A_91, %gather3A_96 : vector<16xf32>
      %add3A_98 = arith.constant 9 : i32
      %add3A_99 = arith.addi %add3A_44, %add3A_98 : i32
      %add3A_100 = vector.broadcast %add3A_99 : i32 to vector<16xi32>
      %add3A_101 = arith.addi %mul3A_25, %add3A_100 : vector<16xi32>
      %gather3A_102 = tpu.vector_load_idx %arg5[%add3A_101] : memref<8192xf32, #tpu.memory_space<vmem>>[vector<16xi32>], vector<16xf32>,
      %add3A_103 = arith.addf %add3A_97, %gather3A_102 : vector<16xf32>
      %add3A_104 = arith.constant 10 : i32
      %add3A_105 = arith.addi %add3A_44, %add3A_104 : i32
      %add3A_106 = vector.broadcast %add3A_105 : i32 to vector<16xi32>
      %add3A_107 = arith.addi %mul3A_25, %add3A_106 : vector<16xi32>
      %gather3A_108 = tpu.vector_load_idx %arg5[%add3A_107] : memref<8192xf32, #tpu.memory_space<vmem>>[vector<16xi32>], vector<16xf32>,
      %add3A_109 = arith.addf %add3A_103, %gather3A_108 : vector<16xf32>
      %add3A_110 = arith.constant 11 : i32
      %add3A_111 = arith.addi %add3A_44, %add3A_110 : i32
      %add3A_112 = vector.broadcast %add3A_111 : i32 to vector<16xi32>
      %add3A_113 = arith.addi %mul3A_25, %add3A_112 : vector<16xi32>
      %gather3A_114 = tpu.vector_load_idx %arg5[%add3A_113] : memref<8192xf32, #tpu.memory_space<vmem>>[vector<16xi32>], vector<16xf32>,
      %add3A_115 = arith.addf %add3A_109, %gather3A_114 : vector<16xf32>
      %add3A_116 = arith.constant 12 : i32
      %add3A_117 = arith.addi %add3A_44, %add3A_116 : i32
      %add3A_118 = vector.broadcast %add3A_117 : i32 to vector<16xi32>
      %add3A_119 = arith.addi %mul3A_25, %add3A_118 : vector<16xi32>
      %gather3A_120 = tpu.vector_load_idx %arg5[%add3A_119] : memref<8192xf32, #tpu.memory_space<vmem>>[vector<16xi32>], vector<16xf32>,
      %add3A_121 = arith.addf %add3A_115, %gather3A_120 : vector<16xf32>
      %add3A_122 = arith.constant 13 : i32
      %add3A_123 = arith.addi %add3A_44, %add3A_122 : i32
      %add3A_124 = vector.broadcast %add3A_123 : i32 to vector<16xi32>
      %add3A_125 = arith.addi %mul3A_25, %add3A_124 : vector<16xi32>
      %gather3A_126 = tpu.vector_load_idx %arg5[%add3A_125] : memref<8192xf32, #tpu.memory_space<vmem>>[vector<16xi32>], vector<16xf32>,
      %add3A_127 = arith.addf %add3A_121, %gather3A_126 : vector<16xf32>
      %add3A_128 = arith.constant 14 : i32
      %add3A_129 = arith.addi %add3A_44, %add3A_128 : i32
      %add3A_130 = vector.broadcast %add3A_129 : i32 to vector<16xi32>
      %add3A_131 = arith.addi %mul3A_25, %add3A_130 : vector<16xi32>
      %gather3A_132 = tpu.vector_load_idx %arg5[%add3A_131] : memref<8192xf32, #tpu.memory_space<vmem>>[vector<16xi32>], vector<16xf32>,
      %add3A_133 = arith.addf %add3A_127, %gather3A_132 : vector<16xf32>
      %add3A_134 = arith.constant 15 : i32
      %add3A_135 = arith.addi %add3A_44, %add3A_134 : i32
      %add3A_136 = vector.broadcast %add3A_135 : i32 to vector<16xi32>
      %add3A_137 = arith.addi %mul3A_25, %add3A_136 : vector<16xi32>
      %gather3A_138 = tpu.vector_load_idx %arg5[%add3A_137] : memref<8192xf32, #tpu.memory_space<vmem>>[vector<16xi32>], vector<16xf32>,
      %add3A_139 = arith.addf %add3A_133, %gather3A_138 : vector<16xf32>
      %mul3A_140 = arith.constant 16 : i32
      %mul3A_141 = arith.muli %scan3A_40, %mul3A_140 : i32
      %add3A_142 = arith.constant 0 : i32
      %add3A_143 = arith.addi %add3A_142, %mul3A_141 : i32
      %swap3A = arith.index_cast %add3A_143 : i32 to index
      %swap3A_144 = tpu.vector_load %arg6[%swap3A] {strides = array<i32>} : memref<512xf32, #tpu.memory_space<vmem>>, vector<16xf32>,
      tpu.vector_store %arg6[%swap3A], %add3A_139 {strides = array<i32>} : memref<512xf32, #tpu.memory_space<vmem>>, vector<16xf32>,
    }
    %scan3A_31 = arith.constant 16 : i32
    %scan3A_32 = arith.constant 0 : i32
    %scan3A_33 = arith.constant 0 : i32
    %scan3A_34 = arith.constant 16 : i32
    %scan3A_35 = arith.addi %scan3A_33, %scan3A_34 : i32
    %scan3A_36 = arith.constant 1 : i32
    scf.for %scan3A_40 = %scan3A_33 to %scan3A_35 step %scan3A_36  : i32 {
      %mul3A_41 = arith.constant 256 : i32
      %mul3A_42 = arith.muli %scan3A_40, %mul3A_41 : i32
      %add3A_43 = arith.constant 4096 : i32
      %add3A_44 = arith.addi %add3A_43, %mul3A_42 : i32
      %add3A_45 = arith.constant 0 : i32
      %add3A_46 = arith.addi %add3A_44, %add3A_45 : i32
      %add3A_47 = vector.broadcast %add3A_46 : i32 to vector<16xi32>
      %add3A_48 = arith.addi %mul3A_25, %add3A_47 : vector<16xi32>
      %gather3A = tpu.vector_load_idx %arg5[%add3A_48] : memref<8192xf32, #tpu.memory_space<vmem>>[vector<16xi32>], vector<16xf32>,
      %add3A_49 = arith.addf %broadcast_in_dim3A_1, %gather3A : vector<16xf32>
      %add3A_50 = arith.constant 1 : i32
      %add3A_51 = arith.addi %add3A_44, %add3A_50 : i32
      %add3A_52 = vector.broadcast %add3A_51 : i32 to vector<16xi32>
      %add3A_53 = arith.addi %mul3A_25, %add3A_52 : vector<16xi32>
      %gather3A_54 = tpu.vector_load_idx %arg5[%add3A_53] : memref<8192xf32, #tpu.memory_space<vmem>>[vector<16xi32>], vector<16xf32>,
      %add3A_55 = arith.addf %add3A_49, %gather3A_54 : vector<16xf32>
      %add3A_56 = arith.constant 2 : i32
      %add3A_57 = arith.addi %add3A_44, %add3A_56 : i32
      %add3A_58 = vector.broadcast %add3A_57 : i32 to vector<16xi32>
      %add3A_59 = arith.addi %mul3A_25, %add3A_58 : vector<16xi32>
      %gather3A_60 = tpu.vector_load_idx %arg5[%add3A_59] : memref<8192xf32, #tpu.memory_space<vmem>>[vector<16xi32>], vector<16xf32>,
      %add3A_61 = arith.addf %add3A_55, %gather3A_60 : vector<16xf32>
      %add3A_62 = arith.constant 3 : i32
      %add3A_63 = arith.addi %add3A_44, %add3A_62 : i32
      %add3A_64 = vector.broadcast %add3A_63 : i32 to vector<16xi32>
      %add3A_65 = arith.addi %mul3A_25, %add3A_64 : vector<16xi32>
      %gather3A_66 = tpu.vector_load_idx %arg5[%add3A_65] : memref<8192xf32, #tpu.memory_space<vmem>>[vector<16xi32>], vector<16xf32>,
      %add3A_67 = arith.addf %add3A_61, %gather3A_66 : vector<16xf32>
      %add3A_68 = arith.constant 4 : i32
      %add3A_69 = arith.addi %add3A_44, %add3A_68 : i32
      %add3A_70 = vector.broadcast %add3A_69 : i32 to vector<16xi32>
      %add3A_71 = arith.addi %mul3A_25, %add3A_70 : vector<16xi32>
      %gather3A_72 = tpu.vector_load_idx %arg5[%add3A_71] : memref<8192xf32, #tpu.memory_space<vmem>>[vector<16xi32>], vector<16xf32>,
      %add3A_73 = arith.addf %add3A_67, %gather3A_72 : vector<16xf32>
      %add3A_74 = arith.constant 5 : i32
      %add3A_75 = arith.addi %add3A_44, %add3A_74 : i32
      %add3A_76 = vector.broadcast %add3A_75 : i32 to vector<16xi32>
      %add3A_77 = arith.addi %mul3A_25, %add3A_76 : vector<16xi32>
      %gather3A_78 = tpu.vector_load_idx %arg5[%add3A_77] : memref<8192xf32, #tpu.memory_space<vmem>>[vector<16xi32>], vector<16xf32>,
      %add3A_79 = arith.addf %add3A_73, %gather3A_78 : vector<16xf32>
      %add3A_80 = arith.constant 6 : i32
      %add3A_81 = arith.addi %add3A_44, %add3A_80 : i32
      %add3A_82 = vector.broadcast %add3A_81 : i32 to vector<16xi32>
      %add3A_83 = arith.addi %mul3A_25, %add3A_82 : vector<16xi32>
      %gather3A_84 = tpu.vector_load_idx %arg5[%add3A_83] : memref<8192xf32, #tpu.memory_space<vmem>>[vector<16xi32>], vector<16xf32>,
      %add3A_85 = arith.addf %add3A_79, %gather3A_84 : vector<16xf32>
      %add3A_86 = arith.constant 7 : i32
      %add3A_87 = arith.addi %add3A_44, %add3A_86 : i32
      %add3A_88 = vector.broadcast %add3A_87 : i32 to vector<16xi32>
      %add3A_89 = arith.addi %mul3A_25, %add3A_88 : vector<16xi32>
      %gather3A_90 = tpu.vector_load_idx %arg5[%add3A_89] : memref<8192xf32, #tpu.memory_space<vmem>>[vector<16xi32>], vector<16xf32>,
      %add3A_91 = arith.addf %add3A_85, %gather3A_90 : vector<16xf32>
      %add3A_92 = arith.constant 8 : i32
      %add3A_93 = arith.addi %add3A_44, %add3A_92 : i32
      %add3A_94 = vector.broadcast %add3A_93 : i32 to vector<16xi32>
      %add3A_95 = arith.addi %mul3A_25, %add3A_94 : vector<16xi32>
      %gather3A_96 = tpu.vector_load_idx %arg5[%add3A_95] : memref<8192xf32, #tpu.memory_space<vmem>>[vector<16xi32>], vector<16xf32>,
      %add3A_97 = arith.addf %add3A_91, %gather3A_96 : vector<16xf32>
      %add3A_98 = arith.constant 9 : i32
      %add3A_99 = arith.addi %add3A_44, %add3A_98 : i32
      %add3A_100 = vector.broadcast %add3A_99 : i32 to vector<16xi32>
      %add3A_101 = arith.addi %mul3A_25, %add3A_100 : vector<16xi32>
      %gather3A_102 = tpu.vector_load_idx %arg5[%add3A_101] : memref<8192xf32, #tpu.memory_space<vmem>>[vector<16xi32>], vector<16xf32>,
      %add3A_103 = arith.addf %add3A_97, %gather3A_102 : vector<16xf32>
      %add3A_104 = arith.constant 10 : i32
      %add3A_105 = arith.addi %add3A_44, %add3A_104 : i32
      %add3A_106 = vector.broadcast %add3A_105 : i32 to vector<16xi32>
      %add3A_107 = arith.addi %mul3A_25, %add3A_106 : vector<16xi32>
      %gather3A_108 = tpu.vector_load_idx %arg5[%add3A_107] : memref<8192xf32, #tpu.memory_space<vmem>>[vector<16xi32>], vector<16xf32>,
      %add3A_109 = arith.addf %add3A_103, %gather3A_108 : vector<16xf32>
      %add3A_110 = arith.constant 11 : i32
      %add3A_111 = arith.addi %add3A_44, %add3A_110 : i32
      %add3A_112 = vector.broadcast %add3A_111 : i32 to vector<16xi32>
      %add3A_113 = arith.addi %mul3A_25, %add3A_112 : vector<16xi32>
      %gather3A_114 = tpu.vector_load_idx %arg5[%add3A_113] : memref<8192xf32, #tpu.memory_space<vmem>>[vector<16xi32>], vector<16xf32>,
      %add3A_115 = arith.addf %add3A_109, %gather3A_114 : vector<16xf32>
      %add3A_116 = arith.constant 12 : i32
      %add3A_117 = arith.addi %add3A_44, %add3A_116 : i32
      %add3A_118 = vector.broadcast %add3A_117 : i32 to vector<16xi32>
      %add3A_119 = arith.addi %mul3A_25, %add3A_118 : vector<16xi32>
      %gather3A_120 = tpu.vector_load_idx %arg5[%add3A_119] : memref<8192xf32, #tpu.memory_space<vmem>>[vector<16xi32>], vector<16xf32>,
      %add3A_121 = arith.addf %add3A_115, %gather3A_120 : vector<16xf32>
      %add3A_122 = arith.constant 13 : i32
      %add3A_123 = arith.addi %add3A_44, %add3A_122 : i32
      %add3A_124 = vector.broadcast %add3A_123 : i32 to vector<16xi32>
      %add3A_125 = arith.addi %mul3A_25, %add3A_124 : vector<16xi32>
      %gather3A_126 = tpu.vector_load_idx %arg5[%add3A_125] : memref<8192xf32, #tpu.memory_space<vmem>>[vector<16xi32>], vector<16xf32>,
      %add3A_127 = arith.addf %add3A_121, %gather3A_126 : vector<16xf32>
      %add3A_128 = arith.constant 14 : i32
      %add3A_129 = arith.addi %add3A_44, %add3A_128 : i32
      %add3A_130 = vector.broadcast %add3A_129 : i32 to vector<16xi32>
      %add3A_131 = arith.addi %mul3A_25, %add3A_130 : vector<16xi32>
      %gather3A_132 = tpu.vector_load_idx %arg5[%add3A_131] : memref<8192xf32, #tpu.memory_space<vmem>>[vector<16xi32>], vector<16xf32>,
      %add3A_133 = arith.addf %add3A_127, %gather3A_132 : vector<16xf32>
      %add3A_134 = arith.constant 15 : i32
      %add3A_135 = arith.addi %add3A_44, %add3A_134 : i32
      %add3A_136 = vector.broadcast %add3A_135 : i32 to vector<16xi32>
      %add3A_137 = arith.addi %mul3A_25, %add3A_136 : vector<16xi32>
      %gather3A_138 = tpu.vector_load_idx %arg5[%add3A_137] : memref<8192xf32, #tpu.memory_space<vmem>>[vector<16xi32>], vector<16xf32>,
      %add3A_139 = arith.addf %add3A_133, %gather3A_138 : vector<16xf32>
      %mul3A_140 = arith.constant 16 : i32
      %mul3A_141 = arith.muli %scan3A_40, %mul3A_140 : i32
      %add3A_142 = arith.constant 256 : i32
      %add3A_143 = arith.addi %add3A_142, %mul3A_141 : i32
      %swap3A = arith.index_cast %add3A_143 : i32 to index
      %swap3A_144 = tpu.vector_load %arg6[%swap3A] {strides = array<i32>} : memref<512xf32, #tpu.memory_space<vmem>>, vector<16xf32>,
      tpu.vector_store %arg6[%swap3A], %add3A_139 {strides = array<i32>} : memref<512xf32, #tpu.memory_space<vmem>>, vector<16xf32>,
    }
    %scan3A_37 = arith.constant 16 : i32
    %mul3A_38 = arith.constant 512 : i32
    %mul3A_39 = arith.muli %add3A, %mul3A_38 : i32
    "tpu.region"() ({
      %run_scoped3A = tpu.sem_alloc : memref<!tpu.dma_semaphore, #tpu.memory_space<semaphore_mem>>
      %dma_start3A = tpu.memref_slice %arg3[%mul3A_39] : memref<16384xf32, #tpu.memory_space<hbm>> -> memref<512xf32, #tpu.memory_space<hbm>>
      %dma_start3A_40 = tpu.memref_slice %arg3[%mul3A_39] : memref<16384xf32, #tpu.memory_space<hbm>> -> memref<512xf32, #tpu.memory_space<hbm>>
      tpu.enqueue_dma source(%arg6 : memref<512xf32, #tpu.memory_space<vmem>>) target(%dma_start3A_40 : memref<512xf32, #tpu.memory_space<hbm>>) target_semaphore(%run_scoped3A : memref<!tpu.dma_semaphore, #tpu.memory_space<semaphore_mem>>)
      %dma_wait3A = tpu.memref_slice %arg3[%mul3A_39] : memref<16384xf32, #tpu.memory_space<hbm>> -> memref<512xf32, #tpu.memory_space<hbm>>
      %dma_wait3A_41 = tpu.memref_slice %arg3[%mul3A_39] : memref<16384xf32, #tpu.memory_space<hbm>> -> memref<512xf32, #tpu.memory_space<hbm>>
      tpu.wait_dma2 semaphore(%run_scoped3A : memref<!tpu.dma_semaphore, #tpu.memory_space<semaphore_mem>>) src(%arg6 : memref<512xf32, #tpu.memory_space<vmem>>) dst(%dma_wait3A_41 : memref<512xf32, #tpu.memory_space<hbm>>)
      tpu.yield
    }) : () -> ()
    return
  }
}

module attributes {stable_mosaic.version = 14 : i64} {
  func.func @_tc_matmul_body(%arg0: memref<64x256xf32, #tpu.memory_space<vmem>>, %arg1: memref<256x128xf32, #tpu.memory_space<vmem>>, %arg2: memref<64x128xf32, #tpu.memory_space<vmem>>) attributes {dimension_semantics = [], scalar_prefetch = 0 : i64, scratch_operands = 0 : i64, tpu.core_type = #tpu.core_type<tc>} {
    %get3A = arith.constant 0 : index
    %get3A_0 = arith.constant 0 : index
    %get3A_1 = vector.load %arg0[%get3A, %get3A_0] : memref<64x256xf32, #tpu.memory_space<vmem>>, vector<64x256xf32>
    %get3A_2 = arith.constant 0 : index
    %get3A_3 = arith.constant 0 : index
    %get3A_4 = vector.load %arg1[%get3A_2, %get3A_3] : memref<256x128xf32, #tpu.memory_space<vmem>>, vector<256x128xf32>
    %dot_general3A = arith.constant dense<0.000000e+00> : vector<64x128xf32>
    %dot_general3A_5 = tpu.matmul %get3A_1, %get3A_4, %dot_general3A {dimension_numbers = #tpu.dot_dimension_numbers<[1], [0], [0], [1], [0, 0, 1, 1], [], []>, transpose_lhs_hint = false} : vector<64x256xf32>, vector<256x128xf32>, vector<64x128xf32> -> vector<64x128xf32>
    %mul3A = arith.constant 0.001953125 : f32
    %mul3A_6 = vector.broadcast %mul3A : f32 to vector<64x128xf32>
    %mul3A_7 = arith.mulf %dot_general3A_5, %mul3A_6 : vector<64x128xf32>
    %swap3A = arith.constant 0 : index
    %swap3A_8 = arith.constant 0 : index
    %swap3A_9 = vector.load %arg2[%swap3A, %swap3A_8] : memref<64x128xf32, #tpu.memory_space<vmem>>, vector<64x128xf32>
    tpu.vector_store %arg2[%swap3A, %swap3A_8], %mul3A_7 {strides = array<i32>} : memref<64x128xf32, #tpu.memory_space<vmem>>, vector<64x128xf32>,
    return
  }
}

</mosaic_0001>

<sc_bundles>
// kernel: kernel.4.cloned.1.call-start
scs
__scs_entry_jumppad:
0x0: {  	(pc) =	sbr.rel $0x88, $3  }
0x1: {  	(tag) =	ssettag $0x0;
	lr =	simm.s32 $0x1  }
0x2: {  	[smem:$0x3F9F] =	sst lr;
	_ =	strace $0xD0000000  }
0x3: {  	_ = 	snop  }
0x4: {  	_ = 	snop  }
0x5: {  	_ = 	snop  }
0x6: {  	_ = 	snop  }
0x7: {  	_ = 	snop  }
__scs_overlays_trampoline_lowered:
0x8: {  	[smem:$0x3FAE] =	sst s0  }
0x9: {  	[smem:$0x3FAF] =	sst s1  }
0xa: {  	[smem:$0x3FB0] =	sst s2  }
0xb: {  	[smem:$0x3FB1] =	sst s3  }
0xc: {  	[smem:$0x3FB2] =	sst s4  }
0xd: {  	[smem:$0x3FB3] =	sst s5  }
0xe: {  	[smem:$0x3FB4] =	sst s6  }
0xf: {  	[smem:$0x3FB5] =	sst s7  }
0x10: {  	[smem:$0x3FB6] =	sst s8  }
0x11: {  	[smem:$0x3FB7] =	sst s9;
	s0 =	simm.s32 @!p0 $0x0  }
0x12: {  	s1 =	sld [smem:$0x3F9D];
	s0 =	simm.s32 @p0 $0x1  }
0x13: {  	[smem:$0x3FB8] =	sst s0;
	s0 =	simm.s32 @!p1 $0x0  }
0x14: {  	s2 =	sld [smem:$0x3F9C];
	s0 =	simm.s32 @p1 $0x1  }
0x15: {  	[smem:$0x3FB9] =	sst s0;
	s0 =	simm.s32 @!p2 $0x0  }
0x16: {  	s3 =	sld [smem:$0x3FDB];
	s0 =	simm.s32 @p2 $0x1  }
0x17: {  	s4 =	simm.s32 $0x1BF5;
	[smem:$0x3FBB] =	sst s0  }
0x18: {  	s0 =	sld [smem:$0x3F9E];
	_ =	swait.ge [sflag:s4], $0x0  }
0x19: {  	s7 =	sld [smem:$0x3F9F]  }
0x1a: {  	s8 =	sadd.s32 $0xFFFFE003, lr  }
0x1b: {  	s9 =	sadd.s32 $0xFFFFFEF7, lr;
	s5 =	simm.s32 $0xFFFFFFFF;
	p2 =	slt.u32 s8, $0xFFFFF086  }
0x1c: {  	p1 =	slt.u32 s9, $0xF7A;
	s5 =	simm.s32 @!p2 $0x0  }
0x1d: {  	s5 =	simm.s32 @p1 $0x1;
	p0 =	seq.s32 s7, s2  }
0x1e: {  	s7 =	smul.u32 @!p0 $0xF7A, s2;
	p2 =	seq.s32 @!p0 s5, $0x0  }
0x1f: {  	s9 =	smul.u32 $0xF7A, s1;
	s8 =	simm.s32 @!p0 $0x1BF5;
	p2 =	por !p2, p0  }
0x20: {  	[sflag:s8] =	ssyncset.s32 @!p0 $0xFFFFF086;
	s6 =	sadd.s32 @!p0 s3, s7;
	s7 =	simm.s32 @!p0 $0x108  }
0x21: {  	s3 =	sadd.s32 s3, s9;
	s6 =	sadd.s32 @!p0 $0x88, s6;
	s7 =	simm.s32 @p2 $0x1082  }
0x22: {  	[simem:s7], [sflag:s8] =	dma.local @!p0 [hbm:s6], $0xF7A  }
0x23: {  	s9 =	sor.u32 $0xD0000000, s2;
	s6 =	simm.s32 $0x108;
	_ =	swait.ge @!p0 [sflag:s8], $0x0  }
0x24: {  	s3 =	sadd.s32 $0x88, s3;
	s6 =	simm.s32 @!p1 $0x1082;
	[sflag:s4] =	ssyncset.s32 $0xFFFFF086  }
0x25: {  	[simem:s6], [sflag:s4] =	dma.local [hbm:s3], $0xF7A  }
0x26: {  	[smem:$0x3F9F] =	sst s1;
	(tag) =	ssettag s2;
	_ =	strace s9  }
0x27: {  	s1 =	sld [smem:$0x3FAF]  }
0x28: {  	s2 =	sld [smem:$0x3FB0]  }
0x29: {  	s4 =	sld [smem:$0x3FB2]  }
0x2a: {  	p0 =	seq.s32 s5, $0x0;
	s5 =	sld [smem:$0x3FB3]  }
0x2b: {  	s6 =	sld [smem:$0x3FB4]  }
0x2c: {  	s7 =	sld [smem:$0x3FB5]  }
0x2d: {  	s3 =	simm.s32 $0x108;
	s8 =	sld [smem:$0x3FB6]  }
0x2e: {  	s3 =	simm.s32 @!p0 $0x1082;
	s9 =	sld [smem:$0x3FB7]  }
0x2f: {  	lr =	sadd.s32 s0, s3;
	s0 =	sld [smem:$0x3FAE]  }
0x30: {  	s3 =	sld [smem:$0x3FB1]  }
0x31: {  	[smem:$0x3FBA] =	sst s10  }
0x32: {  	s10 =	sld [smem:$0x3FB8];
	_ =	sdelay $0x3  }
0x33: {  	p0 =	seq.s32 s10, $0x1;
	s10 =	sld [smem:$0x3FBA];
	_ =	sdelay $0x3  }
0x34: {  	[smem:$0x3FBA] =	sst s10  }
0x35: {  	s10 =	sld [smem:$0x3FB9];
	_ =	sdelay $0x3  }
0x36: {  	p1 =	seq.s32 s10, $0x1;
	s10 =	sld [smem:$0x3FBA];
	_ =	sdelay $0x3  }
0x37: {  	[smem:$0x3FBA] =	sst s10  }
0x38: {  	s10 =	sld [smem:$0x3FBB]  }
0x39: {  	_ = 	snop;
	(pc) =	sbr.ind lr, $3  }
0x3a: {  	_ = 	snop  }
0x3b: {  	_ = 	snop  }
0x3c: {  	p2 =	seq.s32 s10, $0x1;
	s10 =	sld [smem:$0x3FBA]  }
0x3d: {  	_ =	shalt  }
0x3e: {  	_ =	shalt  }
0x3f: {  	_ =	shalt  }
0x40: {  	_ =	shalt  }
0x41: {  	_ =	shalt  }
0x42: {  	_ =	shalt  }
0x43: {  	_ =	shalt  }
0x44: {  	_ =	shalt  }
0x45: {  	_ =	shalt  }
0x46: {  	_ =	shalt  }
0x47: {  	_ =	shalt  }
0x48: {  	_ =	shalt  }
0x49: {  	_ =	shalt  }
0x4a: {  	_ =	shalt  }
0x4b: {  	_ =	shalt  }
0x4c: {  	_ =	shalt  }
0x4d: {  	_ =	shalt  }
0x4e: {  	_ =	shalt  }
0x4f: {  	_ =	shalt  }
0x50: {  	_ =	shalt  }
0x51: {  	_ =	shalt  }
0x52: {  	_ =	shalt  }
0x53: {  	_ =	shalt  }
0x54: {  	_ =	shalt  }
0x55: {  	_ =	shalt  }
0x56: {  	_ =	shalt  }
0x57: {  	_ =	shalt  }
0x58: {  	_ =	shalt  }
0x59: {  	_ =	shalt  }
0x5a: {  	_ =	shalt  }
0x5b: {  	_ =	shalt  }
0x5c: {  	_ =	shalt  }
0x5d: {  	_ =	shalt  }
0x5e: {  	_ =	shalt  }
0x5f: {  	_ =	shalt  }
0x60: {  	_ =	shalt  }
0x61: {  	_ =	shalt  }
0x62: {  	_ =	shalt  }
0x63: {  	_ =	shalt  }
0x64: {  	_ =	shalt  }
0x65: {  	_ =	shalt  }
0x66: {  	_ =	shalt  }
0x67: {  	_ =	shalt  }
0x68: {  	_ =	shalt  }
0x69: {  	_ =	shalt  }
0x6a: {  	_ =	shalt  }
0x6b: {  	_ =	shalt  }
0x6c: {  	_ =	shalt  }
0x6d: {  	_ =	shalt  }
0x6e: {  	_ =	shalt  }
0x6f: {  	_ =	shalt  }
0x70: {  	_ =	shalt  }
0x71: {  	_ =	shalt  }
0x72: {  	_ =	shalt  }
0x73: {  	_ =	shalt  }
0x74: {  	_ =	shalt  }
0x75: {  	_ =	shalt  }
0x76: {  	_ =	shalt  }
0x77: {  	_ =	shalt  }
0x78: {  	_ =	shalt  }
0x79: {  	_ =	shalt  }
0x7a: {  	_ =	shalt  }
0x7b: {  	_ =	shalt  }
0x7c: {  	_ =	shalt  }
0x7d: {  	_ =	shalt  }
0x7e: {  	_ =	shalt  }
0x7f: {  	_ =	shalt  }
0x80: {  	_ =	shalt  }
0x81: {  	_ =	shalt  }
0x82: {  	_ =	shalt  }
0x83: {  	_ =	shalt  }
0x84: {  	_ =	shalt  }
0x85: {  	_ =	shalt  }
0x86: {  	_ =	shalt  }
0x87: {  	_ =	shalt  }
.Lfunc_end0:
.L_simem_size_0:
called_computation_lowered:
.L_overlay_start_0:
0x88: {  	s2 =	sld [smem:$0x3FD9]  }
0x89: {  	s3 =	sld [smem:$0x3FFE];
	_ =	sdelay $0x1  }
0x8a: {  	s1 =	srdreg.scid  }
0x8b: {  	s0 =	sand.u32 $0x1, s1  }
0x8c: {  	s16 =	sshll.u32 s0, $0xA;
	s2 =	sadd.s32 s3, s2  }
0x8d: {  	s2 =	sadd.s32 s2, s16  }
0x8e: {  	[smem:$0x3FC6] =	sst s2  }
0x8f: {  	_ = 	snop  }
0x90: {  	(tm) =	ssettm $0x1  }
0x91: {  	s17 =	sld [smem:$0x3FFB];
	_ =	sdelay $0x3  }
0x92: {  	_ =	strace s17  }
0x93: {  	s2 =	sld [smem:$0x3FFC];
	_ =	sdelay $0x3  }
0x94: {  	_ =	strace s2  }
0x95: {  	s2 =	sld [smem:$0x3FFD];
	_ =	sdelay $0x3  }
0x96: {  	_ =	strace s2  }
0x97: {  	_ =	strace $0x8FFFFFFF  }
0x98: {  	s18 =	sld [smem:$0x3FDB];
	_ =	sdelay $0x1  }
0x99: {  	s19 =	simm.s32 $_scs_section_size  }
0x9a: {  	s4 =	simm.s32 $_size__tile_overlayer_lowered;
	s5 =	simm.s32 $_tile_overlayer_lowered  }
0x9b: {  	s22 =	simm.s32 $0x1BFF;
	s21 =	sshll.u32 s5, $0x1;
	s2 =	sadd.s32 s19, s18  }
0x9c: {  	s6 =	simm.s32 $0x0;
	s20 =	sshll.u32 s4, $0x1;
	s4 =	sadd.s32 s21, s2  }
0x9d: {  	[timem:s6], [sflag:s22] =	dma.local [hbm:s4], s20  }
0x9e: {  	_ =	swait.ge [sflag:s22], s20  }
0x9f: {  	s3 =	ssub.s32 $0x0, s20;
	[sflag:s22] =	ssyncset.done $0x0  }
0xa0: {  	[sflag:s22] =	ssyncadd.s32 s3;
	_ =	sdelay $0x1  }
0xa1: {  	s23 =	simm.s32 $0x1B8B  }
0xa2: {  	_ =	swait.ge [sflag:s23], $0x1  }
0xa3: {  	[sflag:s23] =	ssyncset.done $0x0  }
0xa4: {  	s25 =	simm.s32 $0x1B8E;
	s24 =	sld [smem:$0x3FFE];
	[sflag:s23] =	ssyncadd.s32 $0xFFFFFFFF  }
0xa5: {  	s26 =	simm.s32 $execute0_lowered;
	[smem:$0x3FD2] =	sst s25  }
0xa6: {  	s4 =	sshll.u32 s26, $0x1;
	_ =	strace $0x80000046;
	[dreg:$0x1] =	wrdreg $0xFFFFFFFF  }
0xa7: {  	s28 =	simm.s32 $_size_execute0_lowered;
	s2 =	sadd.s32 s2, s4;
	[dreg:$0x0] =	wrdreg $0x0  }
0xa8: {  	s4 =	sshll.u32 s28, $0x1;
	[dreg:$0x2] =	wrdreg s2  }
0xa9: {  	[dreg:$0x3] =	wrdreg s4  }
0xaa: {  	[dreg:$0x4] =	wrdreg $0xC0  }
0xab: {  	_ =	task [dreg:s6], $0x5FFFF  }
0xac: {  	[dreg:$0x1] =	wrdreg $0xFFFFFFFF  }
0xad: {  	[dreg:$0x0] =	wrdreg $0x60  }
0xae: {  	[dreg:$0x2] =	wrdreg s24  }
0xaf: {  	[dreg:$0x3] =	wrdreg $0x9  }
0xb0: {  	_ =	task.clear_ibuf [dreg:s6], $0x4FFFF;
	_ =	strace $0x90000046  }
0xb1: {  	s29 =	simm.s32 $0x9;
	_ =	strace $0x80000048  }
0xb2: {  	_ =	swait.ge [sflag:s29], $0x1  }
0xb3: {  	[sflag:s29] =	ssyncadd.s32 $0xFFFFFFFF  }
0xb4: {  	_ =	strace $0x90000048  }
0xb5: {  	_ =	sfence  }
0xb6: {  	s30 =	sld [smem:$0x0];
	_ =	sdelay $0x2  }
0xb7: {  	s31 =	sshll.u32 s1, $0xD;
	s1 =	sshrl.u32 s1, $0x2  }
0xb8: {  	s3 =	sand.u32 $0x4000, s31;
	s1 =	sadd.s32 s1, s30  }
0xb9: {  	s0 =	sor.u32 s3, s0;
	s1 =	sshll.u32 s1, $0x11  }
0xba: {  	s0 =	sor.u32 s1, s0  }
0xbb: {  	s0 =	sadd.s32 $0x8F2B, s0  }
0xbc: {  	[sflag:s0] =	ssyncadd.remote.s32 $0x1  }
0xbd: {  	_ =	sfence.sel $0xFFFF  }
0xbe: {  	[dreg:$0x0] =	wrdreg $0xFFFFFFFF;
	(pc) =	sbr.abs _section_cstart, $3  }
0xbf: {  	[dreg:$0x1] =	wrdreg $0xFFFFFFFF  }
0xc0: {  	_ =	task.clear_ibuf [dreg:s6], $0x2FFFF;
	_ =	strace $0x9FFFFFFF  }
0xc1: {  	(tm) =	ssettm $0x7FFFFFFF  }
tec
execute0_lowered:
.L_overlay_start_1:
0x0: {  	(tag) =	ssettag $0x1  }
0x1: {  	s3 =	rddreg [dreg:$0x0]  }
0x2: {  	s0 =	rddreg [dreg:$0x1];
	s4 =	srdreg.scid  }
0x3: {  	s1 =	stileid.u32;
	s2 =	simm.s32 $0x0;
	s8 =	simm.s32 $0x2400  }
0x4: {  	s4 =	sand.u32 $0x1, s4;
	s5 =	sshll.u32 s1, $0x1;
	[smem:$0x7FF] =	sst s2  }
0x5: {  	s9 =	simm.s32 $0x0;
	s5 =	sor.u32 s4, s5;
	_ =	strace $0x80000047  }
0x6: {  	s4 =	ssub.s32 $0x2, s4;
	s6 =	sshll.u32 s5, $0x7;
	s5 =	sshll.u32 s5, $0x6  }
0x7: {  	v1 =	vlaneseq.u32;
	s7 =	sshrl.u32 s4, $0x1;
	s6 =	sadd.s32 s6, s3;
	s5 =	sadd.s32 s5, s3  }
0x8: {  	v4 =	vmul.u32 $0x10, v1;
	s7 =	ssub.s32 s4, s7;
	s3 =	sadd.s32 $0x600, s6;
	s4 =	sadd.s32 $0x1600, s5  }
0x9: {  	v0 =	vimm.f32 $0.0e+00;
	v2 =	vimm.f32 $1.000000000e+00;
	v3 =	vor.u32 $0x1000, v1;
	s5 =	smax.u32 s7, $0x1;
	s6 =	simm.s32 $0x1;
	s7 =	simm.s32 $0x400  }
.LBB2_1:
0xa: {  	[tilespmem:s2], [sflag:$0x1] =	stream.linear.gather [hbm4b:s3+s2], $0x400, $0x38;
	[tilespmem:$0x2600] =	vst v63  }
0xb: {  	_ =	swait.ge [sflag:s6], $0x400  }
0xc: {  	[sflag:s6] =	ssyncset.done $0x0  }
0xd: {  	s10 =	simm.s32 $0x0;
	s11 =	simm.s32 $0x200;
	[sflag:s6] =	ssyncadd.s32 $0xFFFFFC00  }
.LBB2_2:
0xe: {  	p0 =	sne.s32 s11, $0x7E00;
	[tilespmem:s10+$0x470] =	vst v0  }
0xf: {  	[tilespmem:s10+$0x400] =	vst v0  }
0x10: {  	[tilespmem:s10+$0x410] =	vst v0  }
.Ltmp0:
0x11: {  	[tilespmem:s10+$0x420] =	vst v0;
	(pc) =	sbr.rel @p0 .LBB2_2-.Ltmp0, $4  }
0x12: {  	[tilespmem:s10+$0x430] =	vst v0  }
0x13: {  	[tilespmem:s10+$0x440] =	vst v0  }
0x14: {  	[tilespmem:s10+$0x450] =	vst v0  }
0x15: {  	[tilespmem:s10+$0x460] =	vst v0;
	s10 =	sshra.s32 s11, $0x2;
	s11 =	sadd.s32 $0x200, s11  }
0x16: {  	[tilespmem:s10+$0x470] =	vst v0  }
0x17: {  	[tilespmem:s10+$0x400] =	vst v0  }
0x18: {  	[tilespmem:s10+$0x410] =	vst v0  }
0x19: {  	[tilespmem:s10+$0x420] =	vst v0  }
0x1a: {  	[tilespmem:s10+$0x430] =	vst v0  }
0x1b: {  	[tilespmem:s10+$0x440] =	vst v0  }
0x1c: {  	[tilespmem:s10+$0x450] =	vst v0  }
0x1d: {  	[tilespmem:s10+$0x460] =	vst v0  }
0x1e: {  	v5 =	vld [tilespmem:$0x0];
	_ =	sdelay $0x4  }
0x1f: {  	v5 =	vshll.u32 v5, $0x4  }
0x20: {  	v5 =	vor.u32 v1, v5;
	_ =	sdelay $0x4  }
0x21: {  	[tilespmem:v5+s7+$0x0] =	vst.idx.add.f32.msk $0xffff, v2  }
0x22: {  	v5 =	vld [tilespmem:$0x10];
	_ =	sdelay $0x4  }
0x23: {  	v5 =	vshll.u32 v5, $0x4  }
0x24: {  	v5 =	vor.u32 v1, v5;
	_ =	sdelay $0x4  }
0x25: {  	[tilespmem:v5+s7+$0x0] =	vst.idx.add.f32.msk $0xffff, v2  }
0x26: {  	v5 =	vld [tilespmem:$0x20];
	_ =	sdelay $0x4  }
0x27: {  	v5 =	vshll.u32 v5, $0x4  }
0x28: {  	v5 =	vor.u32 v1, v5;
	_ =	sdelay $0x4  }
0x29: {  	[tilespmem:v5+s7+$0x0] =	vst.idx.add.f32.msk $0xffff, v2  }
0x2a: {  	v5 =	vld [tilespmem:$0x30];
	_ =	sdelay $0x4  }
0x2b: {  	v5 =	vshll.u32 v5, $0x4  }
0x2c: {  	v5 =	vor.u32 v1, v5;
	_ =	sdelay $0x4  }
0x2d: {  	[tilespmem:v5+s7+$0x0] =	vst.idx.add.f32.msk $0xffff, v2  }
0x2e: {  	v5 =	vld [tilespmem:$0x40];
	_ =	sdelay $0x4  }
0x2f: {  	v5 =	vshll.u32 v5, $0x4  }
0x30: {  	v5 =	vor.u32 v1, v5;
	_ =	sdelay $0x4  }
0x31: {  	[tilespmem:v5+s7+$0x0] =	vst.idx.add.f32.msk $0xffff, v2  }
0x32: {  	v5 =	vld [tilespmem:$0x50];
	_ =	sdelay $0x4  }
0x33: {  	v5 =	vshll.u32 v5, $0x4  }
0x34: {  	v5 =	vor.u32 v1, v5;
	_ =	sdelay $0x4  }
0x35: {  	[tilespmem:v5+s7+$0x0] =	vst.idx.add.f32.msk $0xffff, v2  }
0x36: {  	v5 =	vld [tilespmem:$0x60];
	_ =	sdelay $0x4  }
0x37: {  	v5 =	vshll.u32 v5, $0x4  }
0x38: {  	v5 =	vor.u32 v1, v5;
	_ =	sdelay $0x4  }
0x39: {  	[tilespmem:v5+s7+$0x0] =	vst.idx.add.f32.msk $0xffff, v2  }
0x3a: {  	v5 =	vld [tilespmem:$0x70];
	_ =	sdelay $0x4  }
0x3b: {  	v5 =	vshll.u32 v5, $0x4  }
0x3c: {  	v5 =	vor.u32 v1, v5;
	_ =	sdelay $0x4  }
0x3d: {  	[tilespmem:v5+s7+$0x0] =	vst.idx.add.f32.msk $0xffff, v2  }
0x3e: {  	v5 =	vld [tilespmem:$0x80];
	_ =	sdelay $0x4  }
0x3f: {  	v5 =	vshll.u32 v5, $0x4  }
0x40: {  	v5 =	vor.u32 v1, v5;
	_ =	sdelay $0x4  }
0x41: {  	[tilespmem:v5+s7+$0x0] =	vst.idx.add.f32.msk $0xffff, v2  }
0x42: {  	v5 =	vld [tilespmem:$0x90];
	_ =	sdelay $0x4  }
0x43: {  	v5 =	vshll.u32 v5, $0x4  }
0x44: {  	v5 =	vor.u32 v1, v5;
	_ =	sdelay $0x4  }
0x45: {  	[tilespmem:v5+s7+$0x0] =	vst.idx.add.f32.msk $0xffff, v2  }
0x46: {  	v5 =	vld [tilespmem:$0xA0];
	_ =	sdelay $0x4  }
0x47: {  	v5 =	vshll.u32 v5, $0x4  }
0x48: {  	v5 =	vor.u32 v1, v5;
	_ =	sdelay $0x4  }
0x49: {  	[tilespmem:v5+s7+$0x0] =	vst.idx.add.f32.msk $0xffff, v2  }
0x4a: {  	v5 =	vld [tilespmem:$0xB0];
	_ =	sdelay $0x4  }
0x4b: {  	v5 =	vshll.u32 v5, $0x4  }
0x4c: {  	v5 =	vor.u32 v1, v5;
	_ =	sdelay $0x4  }
0x4d: {  	[tilespmem:v5+s7+$0x0] =	vst.idx.add.f32.msk $0xffff, v2  }
0x4e: {  	v5 =	vld [tilespmem:$0xC0];
	_ =	sdelay $0x4  }
0x4f: {  	v5 =	vshll.u32 v5, $0x4  }
0x50: {  	v5 =	vor.u32 v1, v5;
	_ =	sdelay $0x4  }
0x51: {  	[tilespmem:v5+s7+$0x0] =	vst.idx.add.f32.msk $0xffff, v2  }
0x52: {  	v5 =	vld [tilespmem:$0xD0];
	_ =	sdelay $0x4  }
0x53: {  	v5 =	vshll.u32 v5, $0x4  }
0x54: {  	v5 =	vor.u32 v1, v5;
	_ =	sdelay $0x4  }
0x55: {  	[tilespmem:v5+s7+$0x0] =	vst.idx.add.f32.msk $0xffff, v2  }
0x56: {  	v5 =	vld [tilespmem:$0xE0];
	_ =	sdelay $0x4  }
0x57: {  	v5 =	vshll.u32 v5, $0x4  }
0x58: {  	v5 =	vor.u32 v1, v5;
	_ =	sdelay $0x4  }
0x59: {  	[tilespmem:v5+s7+$0x0] =	vst.idx.add.f32.msk $0xffff, v2  }
0x5a: {  	v5 =	vld [tilespmem:$0xF0];
	_ =	sdelay $0x4  }
0x5b: {  	v5 =	vshll.u32 v5, $0x4  }
0x5c: {  	v5 =	vor.u32 v1, v5;
	_ =	sdelay $0x4  }
0x5d: {  	[tilespmem:v5+s7+$0x0] =	vst.idx.add.f32.msk $0xffff, v2  }
0x5e: {  	v5 =	vld [tilespmem:$0x100];
	_ =	sdelay $0x4  }
0x5f: {  	v5 =	vshll.u32 v5, $0x4  }
0x60: {  	v5 =	vor.u32 v1, v5;
	_ =	sdelay $0x4  }
0x61: {  	[tilespmem:v5+s7+$0x0] =	vst.idx.add.f32.msk $0xffff, v2  }
0x62: {  	v5 =	vld [tilespmem:$0x110];
	_ =	sdelay $0x4  }
0x63: {  	v5 =	vshll.u32 v5, $0x4  }
0x64: {  	v5 =	vor.u32 v1, v5;
	_ =	sdelay $0x4  }
0x65: {  	[tilespmem:v5+s7+$0x0] =	vst.idx.add.f32.msk $0xffff, v2  }
0x66: {  	v5 =	vld [tilespmem:$0x120];
	_ =	sdelay $0x4  }
0x67: {  	v5 =	vshll.u32 v5, $0x4  }
0x68: {  	v5 =	vor.u32 v1, v5;
	_ =	sdelay $0x4  }
0x69: {  	[tilespmem:v5+s7+$0x0] =	vst.idx.add.f32.msk $0xffff, v2  }
0x6a: {  	v5 =	vld [tilespmem:$0x130];
	_ =	sdelay $0x4  }
0x6b: {  	v5 =	vshll.u32 v5, $0x4  }
0x6c: {  	v5 =	vor.u32 v1, v5;
	_ =	sdelay $0x4  }
0x6d: {  	[tilespmem:v5+s7+$0x0] =	vst.idx.add.f32.msk $0xffff, v2  }
0x6e: {  	v5 =	vld [tilespmem:$0x140];
	_ =	sdelay $0x4  }
0x6f: {  	v5 =	vshll.u32 v5, $0x4  }
0x70: {  	v5 =	vor.u32 v1, v5;
	_ =	sdelay $0x4  }
0x71: {  	[tilespmem:v5+s7+$0x0] =	vst.idx.add.f32.msk $0xffff, v2  }
0x72: {  	v5 =	vld [tilespmem:$0x150];
	_ =	sdelay $0x4  }
0x73: {  	v5 =	vshll.u32 v5, $0x4  }
0x74: {  	v5 =	vor.u32 v1, v5;
	_ =	sdelay $0x4  }
0x75: {  	[tilespmem:v5+s7+$0x0] =	vst.idx.add.f32.msk $0xffff, v2  }
0x76: {  	v5 =	vld [tilespmem:$0x160];
	_ =	sdelay $0x4  }
0x77: {  	v5 =	vshll.u32 v5, $0x4  }
0x78: {  	v5 =	vor.u32 v1, v5;
	_ =	sdelay $0x4  }
0x79: {  	[tilespmem:v5+s7+$0x0] =	vst.idx.add.f32.msk $0xffff, v2  }
0x7a: {  	v5 =	vld [tilespmem:$0x170];
	_ =	sdelay $0x4  }
0x7b: {  	v5 =	vshll.u32 v5, $0x4  }
0x7c: {  	v5 =	vor.u32 v1, v5;
	_ =	sdelay $0x4  }
0x7d: {  	[tilespmem:v5+s7+$0x0] =	vst.idx.add.f32.msk $0xffff, v2  }
0x7e: {  	v5 =	vld [tilespmem:$0x180];
	_ =	sdelay $0x4  }
0x7f: {  	v5 =	vshll.u32 v5, $0x4  }
0x80: {  	v5 =	vor.u32 v1, v5;
	_ =	sdelay $0x4  }
0x81: {  	[tilespmem:v5+s7+$0x0] =	vst.idx.add.f32.msk $0xffff, v2  }
0x82: {  	v5 =	vld [tilespmem:$0x190];
	_ =	sdelay $0x4  }
0x83: {  	v5 =	vshll.u32 v5, $0x4  }
0x84: {  	v5 =	vor.u32 v1, v5;
	_ =	sdelay $0x4  }
0x85: {  	[tilespmem:v5+s7+$0x0] =	vst.idx.add.f32.msk $0xffff, v2  }
0x86: {  	v5 =	vld [tilespmem:$0x1A0];
	_ =	sdelay $0x4  }
0x87: {  	v5 =	vshll.u32 v5, $0x4  }
0x88: {  	v5 =	vor.u32 v1, v5;
	_ =	sdelay $0x4  }
0x89: {  	[tilespmem:v5+s7+$0x0] =	vst.idx.add.f32.msk $0xffff, v2  }
0x8a: {  	v5 =	vld [tilespmem:$0x1B0];
	_ =	sdelay $0x4  }
0x8b: {  	v5 =	vshll.u32 v5, $0x4  }
0x8c: {  	v5 =	vor.u32 v1, v5;
	_ =	sdelay $0x4  }
0x8d: {  	[tilespmem:v5+s7+$0x0] =	vst.idx.add.f32.msk $0xffff, v2  }
0x8e: {  	v5 =	vld [tilespmem:$0x1C0];
	_ =	sdelay $0x4  }
0x8f: {  	v5 =	vshll.u32 v5, $0x4  }
0x90: {  	v5 =	vor.u32 v1, v5;
	_ =	sdelay $0x4  }
0x91: {  	[tilespmem:v5+s7+$0x0] =	vst.idx.add.f32.msk $0xffff, v2  }
0x92: {  	v5 =	vld [tilespmem:$0x1D0];
	_ =	sdelay $0x4  }
0x93: {  	v5 =	vshll.u32 v5, $0x4  }
0x94: {  	v5 =	vor.u32 v1, v5;
	_ =	sdelay $0x4  }
0x95: {  	[tilespmem:v5+s7+$0x0] =	vst.idx.add.f32.msk $0xffff, v2  }
0x96: {  	v5 =	vld [tilespmem:$0x1E0];
	_ =	sdelay $0x4  }
0x97: {  	v5 =	vshll.u32 v5, $0x4  }
0x98: {  	v5 =	vor.u32 v1, v5;
	_ =	sdelay $0x4  }
0x99: {  	[tilespmem:v5+s7+$0x0] =	vst.idx.add.f32.msk $0xffff, v2  }
0x9a: {  	v5 =	vld [tilespmem:$0x1F0];
	_ =	sdelay $0x4  }
0x9b: {  	v5 =	vshll.u32 v5, $0x4  }
0x9c: {  	v5 =	vor.u32 v1, v5;
	_ =	sdelay $0x4  }
0x9d: {  	[tilespmem:v5+s7+$0x0] =	vst.idx.add.f32.msk $0xffff, v2  }
0x9e: {  	v5 =	vld [tilespmem:$0x200];
	_ =	sdelay $0x4  }
0x9f: {  	v5 =	vshll.u32 v5, $0x4  }
0xa0: {  	v5 =	vadd.s32 v3, v5;
	_ =	sdelay $0x4  }
0xa1: {  	[tilespmem:v5+s7+$0x0] =	vst.idx.add.f32.msk $0xffff, v2  }
0xa2: {  	v5 =	vld [tilespmem:$0x210];
	_ =	sdelay $0x4  }
0xa3: {  	v5 =	vshll.u32 v5, $0x4  }
0xa4: {  	v5 =	vadd.s32 v3, v5;
	_ =	sdelay $0x4  }
0xa5: {  	[tilespmem:v5+s7+$0x0] =	vst.idx.add.f32.msk $0xffff, v2  }
0xa6: {  	v5 =	vld [tilespmem:$0x220];
	_ =	sdelay $0x4  }
0xa7: {  	v5 =	vshll.u32 v5, $0x4  }
0xa8: {  	v5 =	vadd.s32 v3, v5;
	_ =	sdelay $0x4  }
0xa9: {  	[tilespmem:v5+s7+$0x0] =	vst.idx.add.f32.msk $0xffff, v2  }
0xaa: {  	v5 =	vld [tilespmem:$0x230];
	_ =	sdelay $0x4  }
0xab: {  	v5 =	vshll.u32 v5, $0x4  }
0xac: {  	v5 =	vadd.s32 v3, v5;
	_ =	sdelay $0x4  }
0xad: {  	[tilespmem:v5+s7+$0x0] =	vst.idx.add.f32.msk $0xffff, v2  }
0xae: {  	v5 =	vld [tilespmem:$0x240];
	_ =	sdelay $0x4  }
0xaf: {  	v5 =	vshll.u32 v5, $0x4  }
0xb0: {  	v5 =	vadd.s32 v3, v5;
	_ =	sdelay $0x4  }
0xb1: {  	[tilespmem:v5+s7+$0x0] =	vst.idx.add.f32.msk $0xffff, v2  }
0xb2: {  	v5 =	vld [tilespmem:$0x250];
	_ =	sdelay $0x4  }
0xb3: {  	v5 =	vshll.u32 v5, $0x4  }
0xb4: {  	v5 =	vadd.s32 v3, v5;
	_ =	sdelay $0x4  }
0xb5: {  	[tilespmem:v5+s7+$0x0] =	vst.idx.add.f32.msk $0xffff, v2  }
0xb6: {  	v5 =	vld [tilespmem:$0x260];
	_ =	sdelay $0x4  }
0xb7: {  	v5 =	vshll.u32 v5, $0x4  }
0xb8: {  	v5 =	vadd.s32 v3, v5;
	_ =	sdelay $0x4  }
0xb9: {  	[tilespmem:v5+s7+$0x0] =	vst.idx.add.f32.msk $0xffff, v2  }
0xba: {  	v5 =	vld [tilespmem:$0x270];
	_ =	sdelay $0x4  }
0xbb: {  	v5 =	vshll.u32 v5, $0x4  }
0xbc: {  	v5 =	vadd.s32 v3, v5;
	_ =	sdelay $0x4  }
0xbd: {  	[tilespmem:v5+s7+$0x0] =	vst.idx.add.f32.msk $0xffff, v2  }
0xbe: {  	v5 =	vld [tilespmem:$0x280];
	_ =	sdelay $0x4  }
0xbf: {  	v5 =	vshll.u32 v5, $0x4  }
0xc0: {  	v5 =	vadd.s32 v3, v5;
	_ =	sdelay $0x4  }
0xc1: {  	[tilespmem:v5+s7+$0x0] =	vst.idx.add.f32.msk $0xffff, v2  }
0xc2: {  	v5 =	vld [tilespmem:$0x290];
	_ =	sdelay $0x4  }
0xc3: {  	v5 =	vshll.u32 v5, $0x4  }
0xc4: {  	v5 =	vadd.s32 v3, v5;
	_ =	sdelay $0x4  }
0xc5: {  	[tilespmem:v5+s7+$0x0] =	vst.idx.add.f32.msk $0xffff, v2  }
0xc6: {  	v5 =	vld [tilespmem:$0x2A0];
	_ =	sdelay $0x4  }
0xc7: {  	v5 =	vshll.u32 v5, $0x4  }
0xc8: {  	v5 =	vadd.s32 v3, v5;
	_ =	sdelay $0x4  }
0xc9: {  	[tilespmem:v5+s7+$0x0] =	vst.idx.add.f32.msk $0xffff, v2  }
0xca: {  	v5 =	vld [tilespmem:$0x2B0];
	_ =	sdelay $0x4  }
0xcb: {  	v5 =	vshll.u32 v5, $0x4  }
0xcc: {  	v5 =	vadd.s32 v3, v5;
	_ =	sdelay $0x4  }
0xcd: {  	[tilespmem:v5+s7+$0x0] =	vst.idx.add.f32.msk $0xffff, v2  }
0xce: {  	v5 =	vld [tilespmem:$0x2C0];
	_ =	sdelay $0x4  }
0xcf: {  	v5 =	vshll.u32 v5, $0x4  }
0xd0: {  	v5 =	vadd.s32 v3, v5;
	_ =	sdelay $0x4  }
0xd1: {  	[tilespmem:v5+s7+$0x0] =	vst.idx.add.f32.msk $0xffff, v2  }
0xd2: {  	v5 =	vld [tilespmem:$0x2D0];
	_ =	sdelay $0x4  }
0xd3: {  	v5 =	vshll.u32 v5, $0x4  }
0xd4: {  	v5 =	vadd.s32 v3, v5;
	_ =	sdelay $0x4  }
0xd5: {  	[tilespmem:v5+s7+$0x0] =	vst.idx.add.f32.msk $0xffff, v2  }
0xd6: {  	v5 =	vld [tilespmem:$0x2E0];
	_ =	sdelay $0x4  }
0xd7: {  	v5 =	vshll.u32 v5, $0x4  }
0xd8: {  	v5 =	vadd.s32 v3, v5;
	_ =	sdelay $0x4  }
0xd9: {  	[tilespmem:v5+s7+$0x0] =	vst.idx.add.f32.msk $0xffff, v2  }
0xda: {  	v5 =	vld [tilespmem:$0x2F0];
	_ =	sdelay $0x4  }
0xdb: {  	v5 =	vshll.u32 v5, $0x4  }
0xdc: {  	v5 =	vadd.s32 v3, v5;
	_ =	sdelay $0x4  }
0xdd: {  	[tilespmem:v5+s7+$0x0] =	vst.idx.add.f32.msk $0xffff, v2  }
0xde: {  	v5 =	vld [tilespmem:$0x300];
	_ =	sdelay $0x4  }
0xdf: {  	v5 =	vshll.u32 v5, $0x4  }
0xe0: {  	v5 =	vadd.s32 v3, v5;
	_ =	sdelay $0x4  }
0xe1: {  	[tilespmem:v5+s7+$0x0] =	vst.idx.add.f32.msk $0xffff, v2  }
0xe2: {  	v5 =	vld [tilespmem:$0x310];
	_ =	sdelay $0x4  }
0xe3: {  	v5 =	vshll.u32 v5, $0x4  }
0xe4: {  	v5 =	vadd.s32 v3, v5;
	_ =	sdelay $0x4  }
0xe5: {  	[tilespmem:v5+s7+$0x0] =	vst.idx.add.f32.msk $0xffff, v2  }
0xe6: {  	v5 =	vld [tilespmem:$0x320];
	_ =	sdelay $0x4  }
0xe7: {  	v5 =	vshll.u32 v5, $0x4  }
0xe8: {  	v5 =	vadd.s32 v3, v5;
	_ =	sdelay $0x4  }
0xe9: {  	[tilespmem:v5+s7+$0x0] =	vst.idx.add.f32.msk $0xffff, v2  }
0xea: {  	v5 =	vld [tilespmem:$0x330];
	_ =	sdelay $0x4  }
0xeb: {  	v5 =	vshll.u32 v5, $0x4  }
0xec: {  	v5 =	vadd.s32 v3, v5;
	_ =	sdelay $0x4  }
0xed: {  	[tilespmem:v5+s7+$0x0] =	vst.idx.add.f32.msk $0xffff, v2  }
0xee: {  	v5 =	vld [tilespmem:$0x340];
	_ =	sdelay $0x4  }
0xef: {  	v5 =	vshll.u32 v5, $0x4  }
0xf0: {  	v5 =	vadd.s32 v3, v5;
	_ =	sdelay $0x4  }
0xf1: {  	[tilespmem:v5+s7+$0x0] =	vst.idx.add.f32.msk $0xffff, v2  }
0xf2: {  	v5 =	vld [tilespmem:$0x350];
	_ =	sdelay $0x4  }
0xf3: {  	v5 =	vshll.u32 v5, $0x4  }
0xf4: {  	v5 =	vadd.s32 v3, v5;
	_ =	sdelay $0x4  }
0xf5: {  	[tilespmem:v5+s7+$0x0] =	vst.idx.add.f32.msk $0xffff, v2  }
0xf6: {  	v5 =	vld [tilespmem:$0x360];
	_ =	sdelay $0x4  }
0xf7: {  	v5 =	vshll.u32 v5, $0x4  }
0xf8: {  	v5 =	vadd.s32 v3, v5;
	_ =	sdelay $0x4  }
0xf9: {  	[tilespmem:v5+s7+$0x0] =	vst.idx.add.f32.msk $0xffff, v2  }
0xfa: {  	v5 =	vld [tilespmem:$0x370];
	_ =	sdelay $0x4  }
0xfb: {  	v5 =	vshll.u32 v5, $0x4  }
0xfc: {  	v5 =	vadd.s32 v3, v5;
	_ =	sdelay $0x4  }
0xfd: {  	[tilespmem:v5+s7+$0x0] =	vst.idx.add.f32.msk $0xffff, v2  }
0xfe: {  	v5 =	vld [tilespmem:$0x380];
	_ =	sdelay $0x4  }
0xff: {  	v5 =	vshll.u32 v5, $0x4  }
0x100: {  	v5 =	vadd.s32 v3, v5;
	_ =	sdelay $0x4  }
0x101: {  	[tilespmem:v5+s7+$0x0] =	vst.idx.add.f32.msk $0xffff, v2  }
0x102: {  	v5 =	vld [tilespmem:$0x390];
	_ =	sdelay $0x4  }
0x103: {  	v5 =	vshll.u32 v5, $0x4  }
0x104: {  	v5 =	vadd.s32 v3, v5;
	_ =	sdelay $0x4  }
0x105: {  	[tilespmem:v5+s7+$0x0] =	vst.idx.add.f32.msk $0xffff, v2  }
0x106: {  	v5 =	vld [tilespmem:$0x3A0];
	_ =	sdelay $0x4  }
0x107: {  	v5 =	vshll.u32 v5, $0x4  }
0x108: {  	v5 =	vadd.s32 v3, v5;
	_ =	sdelay $0x4  }
0x109: {  	[tilespmem:v5+s7+$0x0] =	vst.idx.add.f32.msk $0xffff, v2  }
0x10a: {  	v5 =	vld [tilespmem:$0x3B0];
	_ =	sdelay $0x4  }
0x10b: {  	v5 =	vshll.u32 v5, $0x4  }
0x10c: {  	v5 =	vadd.s32 v3, v5;
	_ =	sdelay $0x4  }
0x10d: {  	[tilespmem:v5+s7+$0x0] =	vst.idx.add.f32.msk $0xffff, v2  }
0x10e: {  	v5 =	vld [tilespmem:$0x3C0];
	_ =	sdelay $0x4  }
0x10f: {  	v5 =	vshll.u32 v5, $0x4  }
0x110: {  	v5 =	vadd.s32 v3, v5;
	_ =	sdelay $0x4  }
0x111: {  	[tilespmem:v5+s7+$0x0] =	vst.idx.add.f32.msk $0xffff, v2  }
0x112: {  	v5 =	vld [tilespmem:$0x3D0];
	_ =	sdelay $0x4  }
0x113: {  	v5 =	vshll.u32 v5, $0x4  }
0x114: {  	v5 =	vadd.s32 v3, v5;
	_ =	sdelay $0x4  }
0x115: {  	[tilespmem:v5+s7+$0x0] =	vst.idx.add.f32.msk $0xffff, v2  }
0x116: {  	v5 =	vld [tilespmem:$0x3E0];
	_ =	sdelay $0x4  }
0x117: {  	v5 =	vshll.u32 v5, $0x4  }
0x118: {  	v5 =	vadd.s32 v3, v5;
	_ =	sdelay $0x4  }
0x119: {  	[tilespmem:v5+s7+$0x0] =	vst.idx.add.f32.msk $0xffff, v2  }
0x11a: {  	v5 =	vld [tilespmem:$0x3F0];
	_ =	sdelay $0x4  }
0x11b: {  	v5 =	vshll.u32 v5, $0x4  }
0x11c: {  	s21 =	simm.s32 $0x0;
	v5 =	vadd.s32 v3, v5  }
0x11d: {  	v6 =	vor.u32 s21, v4  }
0x11e: {  	s22 =	simm.s32 $0x1  }
0x11f: {  	v7 =	vor.u32 s22, v4  }
0x120: {  	s23 =	simm.s32 $0x2  }
0x121: {  	[tilespmem:v5+s7+$0x0] =	vst.idx.add.f32.msk $0xffff, v2;
	v5 =	vor.u32 s23, v4  }
0x122: {  	s24 =	simm.s32 $0x3;
	v6 =	vld.idx.msk [tilespmem:v6+s7+$0x0], $0xffff  }
0x123: {  	v8 =	vor.u32 s24, v4  }
0x124: {  	s25 =	simm.s32 $0x4;
	v7 =	vld.idx.msk [tilespmem:v7+s7+$0x0], $0xffff  }
0x125: {  	v9 =	vor.u32 s25, v4  }
0x126: {  	s26 =	simm.s32 $0x5;
	v5 =	vld.idx.msk [tilespmem:v5+s7+$0x0], $0xffff  }
0x127: {  	v10 =	vor.u32 s26, v4;
	v6 =	vadd.f32 $0.0e+00, v6  }
0x128: {  	s28 =	simm.s32 $0x6;
	v8 =	vld.idx.msk [tilespmem:v8+s7+$0x0], $0xffff  }
0x129: {  	v11 =	vor.u32 s28, v4;
	v6 =	vadd.f32 v7, v6  }
0x12a: {  	s29 =	simm.s32 $0x7;
	v7 =	vld.idx.msk [tilespmem:v9+s7+$0x0], $0xffff  }
0x12b: {  	v43 =	vor.u32 s29, v4;
	v5 =	vadd.f32 v5, v6  }
0x12c: {  	s30 =	simm.s32 $0x8;
	v6 =	vld.idx.msk [tilespmem:v10+s7+$0x0], $0xffff  }
0x12d: {  	v44 =	vor.u32 s30, v4;
	v5 =	vadd.f32 v8, v5  }
0x12e: {  	s31 =	simm.s32 $0x9;
	v8 =	vld.idx.msk [tilespmem:v11+s7+$0x0], $0xffff  }
0x12f: {  	v45 =	vor.u32 s31, v4;
	v5 =	vadd.f32 v7, v5  }
0x130: {  	s11 =	simm.s32 $0xA;
	v7 =	vld.idx.msk [tilespmem:v43+s7+$0x0], $0xffff  }
0x131: {  	v46 =	vor.u32 s11, v4;
	v5 =	vadd.f32 v6, v5  }
0x132: {  	s12 =	simm.s32 $0xB;
	v6 =	vld.idx.msk [tilespmem:v44+s7+$0x0], $0xffff  }
0x133: {  	v47 =	vor.u32 s12, v4;
	v5 =	vadd.f32 v8, v5  }
0x134: {  	s13 =	simm.s32 $0xC;
	v8 =	vld.idx.msk [tilespmem:v45+s7+$0x0], $0xffff  }
0x135: {  	v48 =	vor.u32 s13, v4;
	v5 =	vadd.f32 v7, v5  }
0x136: {  	s14 =	simm.s32 $0xD;
	v7 =	vld.idx.msk [tilespmem:v46+s7+$0x0], $0xffff  }
0x137: {  	v49 =	vor.u32 s14, v4;
	v5 =	vadd.f32 v6, v5  }
0x138: {  	s15 =	simm.s32 $0xE;
	v6 =	vld.idx.msk [tilespmem:v47+s7+$0x0], $0xffff  }
0x139: {  	v50 =	vor.u32 s15, v4;
	v5 =	vadd.f32 v8, v5  }
0x13a: {  	s16 =	simm.s32 $0xF;
	v8 =	vld.idx.msk [tilespmem:v48+s7+$0x0], $0xffff  }
0x13b: {  	v51 =	vor.u32 s16, v4;
	v5 =	vadd.f32 v7, v5  }
0x13c: {  	v7 =	vld.idx.msk [tilespmem:v49+s7+$0x0], $0xffff  }
0x13d: {  	v5 =	vadd.f32 v6, v5  }
0x13e: {  	v6 =	vld.idx.msk [tilespmem:v50+s7+$0x0], $0xffff  }
0x13f: {  	v5 =	vadd.f32 v8, v5  }
0x140: {  	v8 =	vld.idx.msk [tilespmem:v51+s7+$0x0], $0xffff  }
0x141: {  	v5 =	vadd.f32 v7, v5  }
0x142: {  	s17 =	simm.s32 $0x100  }
0x143: {  	v7 =	vor.u32 s17, v4;
	v5 =	vadd.f32 v6, v5  }
0x144: {  	s18 =	simm.s32 $0x101  }
0x145: {  	v6 =	vor.u32 s18, v4;
	v5 =	vadd.f32 v8, v5  }
0x146: {  	s10 =	simm.s32 $0x2400;
	s11 =	simm.s32 $0x102  }
0x147: {  	v8 =	vor.u32 s11, v4;
	[tilespmem:s10+$0x0] =	vst v5  }
0x148: {  	s19 =	simm.s32 $0x103;
	v5 =	vld.idx.msk [tilespmem:v7+s7+$0x0], $0xffff  }
0x149: {  	v7 =	vor.u32 s19, v4  }
0x14a: {  	s20 =	simm.s32 $0x104;
	v6 =	vld.idx.msk [tilespmem:v6+s7+$0x0], $0xffff  }
0x14b: {  	v52 =	vor.u32 s20, v4  }
0x14c: {  	s21 =	simm.s32 $0x105;
	v8 =	vld.idx.msk [tilespmem:v8+s7+$0x0], $0xffff  }
0x14d: {  	v53 =	vor.u32 s21, v4;
	v5 =	vadd.f32 $0.0e+00, v5  }
0x14e: {  	s22 =	simm.s32 $0x106;
	v7 =	vld.idx.msk [tilespmem:v7+s7+$0x0], $0xffff  }
0x14f: {  	v54 =	vor.u32 s22, v4;
	v5 =	vadd.f32 v6, v5  }
0x150: {  	s23 =	simm.s32 $0x107;
	v6 =	vld.idx.msk [tilespmem:v52+s7+$0x0], $0xffff  }
0x151: {  	v55 =	vor.u32 s23, v4;
	v5 =	vadd.f32 v8, v5  }
0x152: {  	s24 =	simm.s32 $0x108;
	v8 =	vld.idx.msk [tilespmem:v53+s7+$0x0], $0xffff  }
0x153: {  	v56 =	vor.u32 s24, v4;
	v5 =	vadd.f32 v7, v5  }
0x154: {  	s25 =	simm.s32 $0x109;
	v7 =	vld.idx.msk [tilespmem:v54+s7+$0x0], $0xffff  }
0x155: {  	v57 =	vor.u32 s25, v4;
	v5 =	vadd.f32 v6, v5  }
0x156: {  	s26 =	simm.s32 $0x10A;
	v6 =	vld.idx.msk [tilespmem:v55+s7+$0x0], $0xffff  }
0x157: {  	v58 =	vor.u32 s26, v4;
	v5 =	vadd.f32 v8, v5  }
0x158: {  	s28 =	simm.s32 $0x10B;
	v8 =	vld.idx.msk [tilespmem:v56+s7+$0x0], $0xffff  }
0x159: {  	v59 =	vor.u32 s28, v4;
	v5 =	vadd.f32 v7, v5  }
0x15a: {  	s29 =	simm.s32 $0x10C;
	v7 =	vld.idx.msk [tilespmem:v57+s7+$0x0], $0xffff  }
0x15b: {  	v60 =	vor.u32 s29, v4;
	v5 =	vadd.f32 v6, v5  }
0x15c: {  	s30 =	simm.s32 $0x10D;
	v6 =	vld.idx.msk [tilespmem:v58+s7+$0x0], $0xffff  }
0x15d: {  	v61 =	vor.u32 s30, v4;
	v5 =	vadd.f32 v8, v5  }
0x15e: {  	s31 =	simm.s32 $0x10E;
	v8 =	vld.idx.msk [tilespmem:v59+s7+$0x0], $0xffff  }
0x15f: {  	v62 =	vor.u32 s31, v4;
	v5 =	vadd.f32 v7, v5  }
0x160: {  	s12 =	simm.s32 $0x10F;
	v7 =	vld.idx.msk [tilespmem:v60+s7+$0x0], $0xffff  }
0x161: {  	v63 =	vor.u32 s12, v4;
	v5 =	vadd.f32 v6, v5  }
0x162: {  	v9 =	vld.idx.msk [tilespmem:v61+s7+$0x0], $0xffff  }
0x163: {  	v5 =	vadd.f32 v8, v5  }
0x164: {  	v6 =	vld.idx.msk [tilespmem:v62+s7+$0x0], $0xffff  }
0x165: {  	v7 =	vadd.f32 v7, v5  }
0x166: {  	v5 =	vld.idx.msk [tilespmem:v63+s7+$0x0], $0xffff  }
0x167: {  	v7 =	vadd.f32 v9, v7  }
0x168: {  	s13 =	simm.s32 $0x200;
	s12 =	simm.s32 $0x30F;
	s11 =	simm.s32 $0x20F  }
.LBB2_4:
0x169: {  	p0 =	sne.s32 s12, $0xF0F;
	v8 =	vor.u32 s13, v4;
	v6 =	vadd.f32 v6, v7  }
0x16a: {  	s13 =	sadd.s32 $0xFFFFFFF2, s11  }
0x16b: {  	v7 =	vor.u32 s13, v4;
	v5 =	vadd.f32 v5, v6  }
0x16c: {  	s10 =	sadd.s32 $0x10, s10;
	s13 =	sadd.s32 $0xFFFFFFF3, s11  }
0x16d: {  	v6 =	vor.u32 s13, v4;
	[tilespmem:s10+$0x0] =	vst v5  }
0x16e: {  	s13 =	sadd.s32 $0xFFFFFFF4, s11;
	v5 =	vld.idx.msk [tilespmem:v8+s7+$0x0], $0xffff  }
0x16f: {  	v8 =	vor.u32 s13, v4  }
0x170: {  	s13 =	sadd.s32 $0xFFFFFFF5, s11;
	v7 =	vld.idx.msk [tilespmem:v7+s7+$0x0], $0xffff  }
0x171: {  	v9 =	vor.u32 s13, v4  }
0x172: {  	s13 =	sadd.s32 $0xFFFFFFF6, s11;
	v6 =	vld.idx.msk [tilespmem:v6+s7+$0x0], $0xffff  }
0x173: {  	v10 =	vor.u32 s13, v4  }
0x174: {  	s13 =	sadd.s32 $0xFFFFFFF7, s11;
	v5 =	vadd.f32 $0.0e+00, v5;
	v8 =	vld.idx.msk [tilespmem:v8+s7+$0x0], $0xffff  }
0x175: {  	v11 =	vor.u32 s13, v4  }
0x176: {  	s13 =	sadd.s32 $0xFFFFFFF8, s11;
	v5 =	vadd.f32 v7, v5;
	v7 =	vld.idx.msk [tilespmem:v9+s7+$0x0], $0xffff  }
0x177: {  	v9 =	vor.u32 s13, v4  }
0x178: {  	s13 =	sadd.s32 $0xFFFFFFF9, s11;
	v5 =	vadd.f32 v6, v5;
	v6 =	vld.idx.msk [tilespmem:v10+s7+$0x0], $0xffff  }
0x179: {  	v10 =	vor.u32 s13, v4  }
0x17a: {  	s13 =	sadd.s32 $0xFFFFFFFA, s11;
	v5 =	vadd.f32 v8, v5;
	v8 =	vld.idx.msk [tilespmem:v11+s7+$0x0], $0xffff  }
0x17b: {  	v11 =	vor.u32 s13, v4  }
0x17c: {  	s13 =	sadd.s32 $0xFFFFFFFB, s11;
	v5 =	vadd.f32 v7, v5;
	v7 =	vld.idx.msk [tilespmem:v9+s7+$0x0], $0xffff  }
0x17d: {  	v9 =	vor.u32 s13, v4  }
0x17e: {  	s13 =	sadd.s32 $0xFFFFFFFC, s11;
	v5 =	vadd.f32 v6, v5;
	v6 =	vld.idx.msk [tilespmem:v10+s7+$0x0], $0xffff  }
0x17f: {  	v10 =	vor.u32 s13, v4  }
0x180: {  	s13 =	sadd.s32 $0xFFFFFFFD, s11;
	v5 =	vadd.f32 v8, v5;
	v8 =	vld.idx.msk [tilespmem:v11+s7+$0x0], $0xffff  }
0x181: {  	v11 =	vor.u32 s13, v4  }
0x182: {  	s13 =	sadd.s32 $0xFFFFFFFE, s11;
	v5 =	vadd.f32 v7, v5;
	v7 =	vld.idx.msk [tilespmem:v9+s7+$0x0], $0xffff  }
0x183: {  	v9 =	vor.u32 s13, v4  }
0x184: {  	s13 =	sadd.s32 $0xFFFFFFFF, s11;
	v5 =	vadd.f32 v6, v5;
	v6 =	vld.idx.msk [tilespmem:v10+s7+$0x0], $0xffff  }
0x185: {  	v10 =	vor.u32 s13, v4  }
0x186: {  	v5 =	vadd.f32 v8, v5;
	v8 =	vld.idx.msk [tilespmem:v11+s7+$0x0], $0xffff  }
0x187: {  	v11 =	vor.u32 s11, v4;
	s11 =	smov.u32 s12  }
0x188: {  	v5 =	vadd.f32 v7, v5;
	v7 =	vld.idx.msk [tilespmem:v9+s7+$0x0], $0xffff;
	_ =	sdelay $0x1  }
0x189: {  	v5 =	vadd.f32 v6, v5;
	v6 =	vld.idx.msk [tilespmem:v10+s7+$0x0], $0xffff  }
.Ltmp1:
0x18a: {  	(pc) =	sbr.rel @p0 .LBB2_4-.Ltmp1, $3  }
0x18b: {  	v8 =	vadd.f32 v8, v5;
	v5 =	vld.idx.msk [tilespmem:v11+s7+$0x0], $0xffff;
	_ =	sdelay $0x1  }
0x18c: {  	v7 =	vadd.f32 v7, v8  }
0x18d: {  	s12 =	sadd.s32 $0x100, s12;
	s13 =	sadd.s32 $0xFFFFFFF1, s11  }
0x18e: {  	v8 =	vor.u32 s13, v4;
	v6 =	vadd.f32 v6, v7  }
0x18f: {  	s12 =	sadd.s32 $0xFFFFFFF2, s11  }
0x190: {  	v7 =	vor.u32 s12, v4;
	v5 =	vadd.f32 v5, v6  }
0x191: {  	s23 =	sadd.s32 $0xFFFFFFF3, s11;
	s10 =	sadd.s32 $0x10, s10  }
0x192: {  	v6 =	vor.u32 s23, v4;
	[tilespmem:s10+$0x0] =	vst v5  }
0x193: {  	s24 =	sadd.s32 $0xFFFFFFF4, s11;
	v5 =	vld.idx.msk [tilespmem:v8+s7+$0x0], $0xffff  }
0x194: {  	v8 =	vor.u32 s24, v4  }
0x195: {  	s25 =	sadd.s32 $0xFFFFFFF5, s11;
	v7 =	vld.idx.msk [tilespmem:v7+s7+$0x0], $0xffff  }
0x196: {  	v9 =	vor.u32 s25, v4  }
0x197: {  	s26 =	sadd.s32 $0xFFFFFFF6, s11;
	v6 =	vld.idx.msk [tilespmem:v6+s7+$0x0], $0xffff  }
0x198: {  	v10 =	vor.u32 s26, v4;
	v5 =	vadd.f32 $0.0e+00, v5  }
0x199: {  	s28 =	sadd.s32 $0xFFFFFFF7, s11;
	v8 =	vld.idx.msk [tilespmem:v8+s7+$0x0], $0xffff  }
0x19a: {  	v11 =	vor.u32 s28, v4;
	v5 =	vadd.f32 v7, v5  }
0x19b: {  	s29 =	sadd.s32 $0xFFFFFFF8, s11;
	v7 =	vld.idx.msk [tilespmem:v9+s7+$0x0], $0xffff  }
0x19c: {  	v31 =	vor.u32 s29, v4;
	v5 =	vadd.f32 v6, v5  }
0x19d: {  	s30 =	sadd.s32 $0xFFFFFFF9, s11;
	v6 =	vld.idx.msk [tilespmem:v10+s7+$0x0], $0xffff  }
0x19e: {  	v32 =	vor.u32 s30, v4;
	v5 =	vadd.f32 v8, v5  }
0x19f: {  	s31 =	sadd.s32 $0xFFFFFFFA, s11;
	v8 =	vld.idx.msk [tilespmem:v11+s7+$0x0], $0xffff  }
0x1a0: {  	v33 =	vor.u32 s31, v4;
	v5 =	vadd.f32 v7, v5  }
0x1a1: {  	s13 =	sadd.s32 $0xFFFFFFFB, s11;
	v7 =	vld.idx.msk [tilespmem:v31+s7+$0x0], $0xffff  }
0x1a2: {  	v34 =	vor.u32 s13, v4;
	v5 =	vadd.f32 v6, v5  }
0x1a3: {  	s14 =	sadd.s32 $0xFFFFFFFC, s11;
	v6 =	vld.idx.msk [tilespmem:v32+s7+$0x0], $0xffff  }
0x1a4: {  	v35 =	vor.u32 s14, v4;
	v5 =	vadd.f32 v8, v5  }
0x1a5: {  	s15 =	sadd.s32 $0xFFFFFFFD, s11;
	v8 =	vld.idx.msk [tilespmem:v33+s7+$0x0], $0xffff  }
0x1a6: {  	v36 =	vor.u32 s15, v4;
	v5 =	vadd.f32 v7, v5  }
0x1a7: {  	s16 =	sadd.s32 $0xFFFFFFFE, s11;
	v7 =	vld.idx.msk [tilespmem:v34+s7+$0x0], $0xffff  }
0x1a8: {  	v37 =	vor.u32 s16, v4;
	v5 =	vadd.f32 v6, v5  }
0x1a9: {  	s17 =	sadd.s32 $0xFFFFFFFF, s11;
	v6 =	vld.idx.msk [tilespmem:v35+s7+$0x0], $0xffff  }
0x1aa: {  	v38 =	vor.u32 s17, v4;
	v5 =	vadd.f32 v8, v5  }
0x1ab: {  	v8 =	vld.idx.msk [tilespmem:v36+s7+$0x0], $0xffff  }
0x1ac: {  	v39 =	vor.u32 s11, v4;
	v5 =	vadd.f32 v7, v5  }
0x1ad: {  	v7 =	vld.idx.msk [tilespmem:v37+s7+$0x0], $0xffff  }
0x1ae: {  	v5 =	vadd.f32 v6, v5  }
0x1af: {  	v6 =	vld.idx.msk [tilespmem:v38+s7+$0x0], $0xffff  }
0x1b0: {  	v5 =	vadd.f32 v8, v5  }
0x1b1: {  	v8 =	vld.idx.msk [tilespmem:v39+s7+$0x0], $0xffff  }
0x1b2: {  	v5 =	vadd.f32 v7, v5  }
0x1b3: {  	s18 =	simm.s32 $0x1000  }
0x1b4: {  	v5 =	vadd.f32 v6, v5;
	v6 =	vor.u32 s18, v4  }
0x1b5: {  	s19 =	simm.s32 $0x1001  }
0x1b6: {  	v7 =	vor.u32 s19, v4;
	v5 =	vadd.f32 v8, v5  }
0x1b7: {  	s20 =	simm.s32 $0x1002;
	s10 =	sadd.s32 $0x10, s10  }
0x1b8: {  	[tilespmem:s10+$0x0] =	vst v5;
	v5 =	vor.u32 s20, v4  }
0x1b9: {  	s21 =	simm.s32 $0x1003;
	v6 =	vld.idx.msk [tilespmem:v6+s7+$0x0], $0xffff  }
0x1ba: {  	v8 =	vor.u32 s21, v4  }
0x1bb: {  	s22 =	simm.s32 $0x1004;
	v7 =	vld.idx.msk [tilespmem:v7+s7+$0x0], $0xffff  }
0x1bc: {  	v40 =	vor.u32 s22, v4  }
0x1bd: {  	s23 =	simm.s32 $0x1005;
	v5 =	vld.idx.msk [tilespmem:v5+s7+$0x0], $0xffff  }
0x1be: {  	v41 =	vor.u32 s23, v4;
	v6 =	vadd.f32 $0.0e+00, v6  }
0x1bf: {  	s24 =	simm.s32 $0x1006;
	v8 =	vld.idx.msk [tilespmem:v8+s7+$0x0], $0xffff  }
0x1c0: {  	v42 =	vor.u32 s24, v4;
	v6 =	vadd.f32 v7, v6  }
0x1c1: {  	s25 =	simm.s32 $0x1007;
	v7 =	vld.idx.msk [tilespmem:v40+s7+$0x0], $0xffff  }
0x1c2: {  	v43 =	vor.u32 s25, v4;
	v5 =	vadd.f32 v5, v6  }
0x1c3: {  	s26 =	simm.s32 $0x1008;
	v6 =	vld.idx.msk [tilespmem:v41+s7+$0x0], $0xffff  }
0x1c4: {  	v44 =	vor.u32 s26, v4;
	v5 =	vadd.f32 v8, v5  }
0x1c5: {  	s28 =	simm.s32 $0x1009;
	v8 =	vld.idx.msk [tilespmem:v42+s7+$0x0], $0xffff  }
0x1c6: {  	v45 =	vor.u32 s28, v4;
	v5 =	vadd.f32 v7, v5  }
0x1c7: {  	s29 =	simm.s32 $0x100A;
	v7 =	vld.idx.msk [tilespmem:v43+s7+$0x0], $0xffff  }
0x1c8: {  	v46 =	vor.u32 s29, v4;
	v5 =	vadd.f32 v6, v5  }
0x1c9: {  	s30 =	simm.s32 $0x100B;
	v6 =	vld.idx.msk [tilespmem:v44+s7+$0x0], $0xffff  }
0x1ca: {  	v47 =	vor.u32 s30, v4;
	v5 =	vadd.f32 v8, v5  }
0x1cb: {  	s31 =	simm.s32 $0x100C;
	v8 =	vld.idx.msk [tilespmem:v45+s7+$0x0], $0xffff  }
0x1cc: {  	v48 =	vor.u32 s31, v4;
	v5 =	vadd.f32 v7, v5  }
0x1cd: {  	s11 =	simm.s32 $0x100D;
	v7 =	vld.idx.msk [tilespmem:v46+s7+$0x0], $0xffff  }
0x1ce: {  	v49 =	vor.u32 s11, v4;
	v5 =	vadd.f32 v6, v5  }
0x1cf: {  	s12 =	simm.s32 $0x100E;
	v6 =	vld.idx.msk [tilespmem:v47+s7+$0x0], $0xffff  }
0x1d0: {  	v50 =	vor.u32 s12, v4;
	v5 =	vadd.f32 v8, v5  }
0x1d1: {  	s13 =	simm.s32 $0x100F;
	v8 =	vld.idx.msk [tilespmem:v48+s7+$0x0], $0xffff  }
0x1d2: {  	v51 =	vor.u32 s13, v4;
	v5 =	vadd.f32 v7, v5  }
0x1d3: {  	v7 =	vld.idx.msk [tilespmem:v49+s7+$0x0], $0xffff  }
0x1d4: {  	v5 =	vadd.f32 v6, v5  }
0x1d5: {  	v6 =	vld.idx.msk [tilespmem:v50+s7+$0x0], $0xffff  }
0x1d6: {  	v5 =	vadd.f32 v8, v5  }
0x1d7: {  	v8 =	vld.idx.msk [tilespmem:v51+s7+$0x0], $0xffff  }
0x1d8: {  	v5 =	vadd.f32 v7, v5  }
0x1d9: {  	s14 =	simm.s32 $0x1100  }
0x1da: {  	v7 =	vor.u32 s14, v4;
	v5 =	vadd.f32 v6, v5  }
0x1db: {  	s15 =	simm.s32 $0x1101  }
0x1dc: {  	s10 =	simm.s32 $0x0;
	v6 =	vor.u32 s15, v4;
	v5 =	vadd.f32 v8, v5  }
0x1dd: {  	s16 =	simm.s32 $0x1102;
	s17 =	sand.u32 $0xF0, s10  }
0x1de: {  	v8 =	vor.u32 s16, v4;
	[tilespmem:s17+$0x2500] =	vst v5  }
0x1df: {  	s18 =	simm.s32 $0x1103;
	v5 =	vld.idx.msk [tilespmem:v7+s7+$0x0], $0xffff  }
0x1e0: {  	v7 =	vor.u32 s18, v4  }
0x1e1: {  	s19 =	simm.s32 $0x1104;
	v6 =	vld.idx.msk [tilespmem:v6+s7+$0x0], $0xffff  }
0x1e2: {  	v52 =	vor.u32 s19, v4  }
0x1e3: {  	s20 =	simm.s32 $0x1105;
	v8 =	vld.idx.msk [tilespmem:v8+s7+$0x0], $0xffff  }
0x1e4: {  	v53 =	vor.u32 s20, v4;
	v5 =	vadd.f32 $0.0e+00, v5  }
0x1e5: {  	s21 =	simm.s32 $0x1106;
	v7 =	vld.idx.msk [tilespmem:v7+s7+$0x0], $0xffff  }
0x1e6: {  	v54 =	vor.u32 s21, v4;
	v5 =	vadd.f32 v6, v5  }
0x1e7: {  	s22 =	simm.s32 $0x1107;
	v6 =	vld.idx.msk [tilespmem:v52+s7+$0x0], $0xffff  }
0x1e8: {  	v55 =	vor.u32 s22, v4;
	v5 =	vadd.f32 v8, v5  }
0x1e9: {  	s23 =	simm.s32 $0x1108;
	v8 =	vld.idx.msk [tilespmem:v53+s7+$0x0], $0xffff  }
0x1ea: {  	v56 =	vor.u32 s23, v4;
	v5 =	vadd.f32 v7, v5  }
0x1eb: {  	s24 =	simm.s32 $0x1109;
	v7 =	vld.idx.msk [tilespmem:v54+s7+$0x0], $0xffff  }
0x1ec: {  	v57 =	vor.u32 s24, v4;
	v5 =	vadd.f32 v6, v5  }
0x1ed: {  	s25 =	simm.s32 $0x110A;
	v6 =	vld.idx.msk [tilespmem:v55+s7+$0x0], $0xffff  }
0x1ee: {  	v58 =	vor.u32 s25, v4;
	v5 =	vadd.f32 v8, v5  }
0x1ef: {  	s26 =	simm.s32 $0x110B;
	v8 =	vld.idx.msk [tilespmem:v56+s7+$0x0], $0xffff  }
0x1f0: {  	v59 =	vor.u32 s26, v4;
	v5 =	vadd.f32 v7, v5  }
0x1f1: {  	s28 =	simm.s32 $0x110C;
	v7 =	vld.idx.msk [tilespmem:v57+s7+$0x0], $0xffff  }
0x1f2: {  	v60 =	vor.u32 s28, v4;
	v5 =	vadd.f32 v6, v5  }
0x1f3: {  	s29 =	simm.s32 $0x110D;
	v6 =	vld.idx.msk [tilespmem:v58+s7+$0x0], $0xffff  }
0x1f4: {  	v61 =	vor.u32 s29, v4;
	v5 =	vadd.f32 v8, v5  }
0x1f5: {  	s30 =	simm.s32 $0x110E;
	v8 =	vld.idx.msk [tilespmem:v59+s7+$0x0], $0xffff  }
0x1f6: {  	v62 =	vor.u32 s30, v4;
	v5 =	vadd.f32 v7, v5  }
0x1f7: {  	s31 =	simm.s32 $0x110F;
	v7 =	vld.idx.msk [tilespmem:v60+s7+$0x0], $0xffff  }
0x1f8: {  	v63 =	vor.u32 s31, v4;
	v5 =	vadd.f32 v6, v5  }
0x1f9: {  	v9 =	vld.idx.msk [tilespmem:v61+s7+$0x0], $0xffff  }
0x1fa: {  	v5 =	vadd.f32 v8, v5  }
0x1fb: {  	v6 =	vld.idx.msk [tilespmem:v62+s7+$0x0], $0xffff  }
0x1fc: {  	v7 =	vadd.f32 v7, v5  }
0x1fd: {  	v5 =	vld.idx.msk [tilespmem:v63+s7+$0x0], $0xffff  }
0x1fe: {  	v7 =	vadd.f32 v9, v7  }
0x1ff: {  	s11 =	simm.s32 $0x120F;
	s13 =	simm.s32 $0x1200;
	s12 =	simm.s32 $0x130F  }
.LBB2_6:
0x200: {  	p0 =	sne.s32 s12, $0x1F0F;
	v8 =	vor.u32 s13, v4;
	v6 =	vadd.f32 v6, v7  }
0x201: {  	s13 =	sadd.s32 $0xFFFFFFF2, s11  }
0x202: {  	s10 =	sadd.s32 $0x10, s10;
	v7 =	vor.u32 s13, v4;
	v5 =	vadd.f32 v5, v6  }
0x203: {  	s13 =	sadd.s32 $0xFFFFFFF3, s11;
	s14 =	sand.u32 $0xF0, s10  }
0x204: {  	v6 =	vor.u32 s13, v4;
	[tilespmem:s14+$0x2500] =	vst v5  }
0x205: {  	s13 =	sadd.s32 $0xFFFFFFF4, s11;
	v5 =	vld.idx.msk [tilespmem:v8+s7+$0x0], $0xffff  }
0x206: {  	v8 =	vor.u32 s13, v4  }
0x207: {  	s13 =	sadd.s32 $0xFFFFFFF5, s11;
	v7 =	vld.idx.msk [tilespmem:v7+s7+$0x0], $0xffff  }
0x208: {  	v9 =	vor.u32 s13, v4  }
0x209: {  	s13 =	sadd.s32 $0xFFFFFFF6, s11;
	v6 =	vld.idx.msk [tilespmem:v6+s7+$0x0], $0xffff  }
0x20a: {  	v10 =	vor.u32 s13, v4  }
0x20b: {  	s13 =	sadd.s32 $0xFFFFFFF7, s11;
	v5 =	vadd.f32 $0.0e+00, v5;
	v8 =	vld.idx.msk [tilespmem:v8+s7+$0x0], $0xffff  }
0x20c: {  	v11 =	vor.u32 s13, v4  }
0x20d: {  	s13 =	sadd.s32 $0xFFFFFFF8, s11;
	v5 =	vadd.f32 v7, v5;
	v7 =	vld.idx.msk [tilespmem:v9+s7+$0x0], $0xffff  }
0x20e: {  	v9 =	vor.u32 s13, v4  }
0x20f: {  	s13 =	sadd.s32 $0xFFFFFFF9, s11;
	v5 =	vadd.f32 v6, v5;
	v6 =	vld.idx.msk [tilespmem:v10+s7+$0x0], $0xffff  }
0x210: {  	v10 =	vor.u32 s13, v4  }
0x211: {  	s13 =	sadd.s32 $0xFFFFFFFA, s11;
	v5 =	vadd.f32 v8, v5;
	v8 =	vld.idx.msk [tilespmem:v11+s7+$0x0], $0xffff  }
0x212: {  	v11 =	vor.u32 s13, v4  }
0x213: {  	s13 =	sadd.s32 $0xFFFFFFFB, s11;
	v5 =	vadd.f32 v7, v5;
	v7 =	vld.idx.msk [tilespmem:v9+s7+$0x0], $0xffff  }
0x214: {  	v9 =	vor.u32 s13, v4  }
0x215: {  	s13 =	sadd.s32 $0xFFFFFFFC, s11;
	v5 =	vadd.f32 v6, v5;
	v6 =	vld.idx.msk [tilespmem:v10+s7+$0x0], $0xffff  }
0x216: {  	v10 =	vor.u32 s13, v4  }
0x217: {  	s13 =	sadd.s32 $0xFFFFFFFD, s11;
	v5 =	vadd.f32 v8, v5;
	v8 =	vld.idx.msk [tilespmem:v11+s7+$0x0], $0xffff  }
0x218: {  	v11 =	vor.u32 s13, v4  }
0x219: {  	s13 =	sadd.s32 $0xFFFFFFFE, s11;
	v5 =	vadd.f32 v7, v5;
	v7 =	vld.idx.msk [tilespmem:v9+s7+$0x0], $0xffff  }
0x21a: {  	v9 =	vor.u32 s13, v4  }
0x21b: {  	s13 =	sadd.s32 $0xFFFFFFFF, s11;
	v5 =	vadd.f32 v6, v5;
	v6 =	vld.idx.msk [tilespmem:v10+s7+$0x0], $0xffff  }
0x21c: {  	v10 =	vor.u32 s13, v4  }
0x21d: {  	v5 =	vadd.f32 v8, v5;
	v8 =	vld.idx.msk [tilespmem:v11+s7+$0x0], $0xffff  }
0x21e: {  	v11 =	vor.u32 s11, v4;
	s11 =	smov.u32 s12  }
0x21f: {  	v5 =	vadd.f32 v7, v5;
	v7 =	vld.idx.msk [tilespmem:v9+s7+$0x0], $0xffff;
	_ =	sdelay $0x1  }
0x220: {  	v5 =	vadd.f32 v6, v5;
	v6 =	vld.idx.msk [tilespmem:v10+s7+$0x0], $0xffff  }
.Ltmp2:
0x221: {  	(pc) =	sbr.rel @p0 .LBB2_6-.Ltmp2, $3  }
0x222: {  	v8 =	vadd.f32 v8, v5;
	v5 =	vld.idx.msk [tilespmem:v11+s7+$0x0], $0xffff;
	_ =	sdelay $0x1  }
0x223: {  	v7 =	vadd.f32 v7, v8  }
0x224: {  	s12 =	sadd.s32 $0x100, s12;
	s13 =	sadd.s32 $0xFFFFFFF1, s11  }
0x225: {  	v8 =	vor.u32 s13, v4;
	v6 =	vadd.f32 v6, v7  }
0x226: {  	s12 =	sadd.s32 $0xFFFFFFF2, s11  }
0x227: {  	s10 =	sadd.s32 $0x10, s10;
	v7 =	vor.u32 s12, v4;
	v5 =	vadd.f32 v5, v6  }
0x228: {  	s17 =	sadd.s32 $0xFFFFFFF3, s11;
	s18 =	sand.u32 $0xF0, s10  }
0x229: {  	v6 =	vor.u32 s17, v4;
	[tilespmem:s18+$0x2500] =	vst v5  }
0x22a: {  	s19 =	sadd.s32 $0xFFFFFFF4, s11;
	v5 =	vld.idx.msk [tilespmem:v8+s7+$0x0], $0xffff  }
0x22b: {  	v50 =	vor.u32 s19, v4  }
0x22c: {  	s20 =	sadd.s32 $0xFFFFFFF5, s11;
	v7 =	vld.idx.msk [tilespmem:v7+s7+$0x0], $0xffff  }
0x22d: {  	v9 =	vor.u32 s20, v4  }
0x22e: {  	s21 =	sadd.s32 $0xFFFFFFF6, s11;
	v6 =	vld.idx.msk [tilespmem:v6+s7+$0x0], $0xffff  }
0x22f: {  	v10 =	vor.u32 s21, v4;
	v5 =	vadd.f32 $0.0e+00, v5  }
0x230: {  	s22 =	sadd.s32 $0xFFFFFFF7, s11;
	v8 =	vld.idx.msk [tilespmem:v50+s7+$0x0], $0xffff  }
0x231: {  	v11 =	vor.u32 s22, v4;
	v5 =	vadd.f32 v7, v5  }
0x232: {  	s23 =	sadd.s32 $0xFFFFFFF8, s11;
	v7 =	vld.idx.msk [tilespmem:v9+s7+$0x0], $0xffff  }
0x233: {  	v51 =	vor.u32 s23, v4;
	v5 =	vadd.f32 v6, v5  }
0x234: {  	s24 =	sadd.s32 $0xFFFFFFF9, s11;
	v6 =	vld.idx.msk [tilespmem:v10+s7+$0x0], $0xffff  }
0x235: {  	v52 =	vor.u32 s24, v4;
	v5 =	vadd.f32 v8, v5  }
0x236: {  	s25 =	sadd.s32 $0xFFFFFFFA, s11;
	v53 =	vld.idx.msk [tilespmem:v11+s7+$0x0], $0xffff  }
0x237: {  	v54 =	vor.u32 s25, v4;
	v5 =	vadd.f32 v7, v5  }
0x238: {  	s26 =	sadd.s32 $0xFFFFFFFB, s11;
	v7 =	vld.idx.msk [tilespmem:v51+s7+$0x0], $0xffff  }
0x239: {  	v55 =	vor.u32 s26, v4;
	v5 =	vadd.f32 v6, v5  }
0x23a: {  	s28 =	sadd.s32 $0xFFFFFFFC, s11;
	v6 =	vld.idx.msk [tilespmem:v52+s7+$0x0], $0xffff  }
0x23b: {  	v56 =	vor.u32 s28, v4;
	v5 =	vadd.f32 v53, v5  }
0x23c: {  	s29 =	sadd.s32 $0xFFFFFFFD, s11;
	v57 =	vld.idx.msk [tilespmem:v54+s7+$0x0], $0xffff  }
0x23d: {  	v58 =	vor.u32 s29, v4;
	v5 =	vadd.f32 v7, v5  }
0x23e: {  	s30 =	sadd.s32 $0xFFFFFFFE, s11;
	v7 =	vld.idx.msk [tilespmem:v55+s7+$0x0], $0xffff  }
0x23f: {  	v59 =	vor.u32 s30, v4;
	v5 =	vadd.f32 v6, v5  }
0x240: {  	s31 =	sadd.s32 $0xFFFFFFFF, s11;
	v6 =	vld.idx.msk [tilespmem:v56+s7+$0x0], $0xffff  }
0x241: {  	v60 =	vor.u32 s31, v4;
	v5 =	vadd.f32 v57, v5  }
0x242: {  	v61 =	vld.idx.msk [tilespmem:v58+s7+$0x0], $0xffff  }
0x243: {  	v62 =	vor.u32 s11, v4;
	v5 =	vadd.f32 v7, v5  }
0x244: {  	v7 =	vld.idx.msk [tilespmem:v59+s7+$0x0], $0xffff  }
0x245: {  	v5 =	vadd.f32 v6, v5  }
0x246: {  	v6 =	vld.idx.msk [tilespmem:v60+s7+$0x0], $0xffff  }
0x247: {  	v5 =	vadd.f32 v61, v5  }
0x248: {  	v63 =	vld.idx.msk [tilespmem:v62+s7+$0x0], $0xffff  }
0x249: {  	v5 =	vadd.f32 v7, v5;
	_ =	sdelay $0x1  }
0x24a: {  	v5 =	vadd.f32 v6, v5;
	_ =	sdelay $0x1  }
0x24b: {  	s9 =	sadd.s32 $0x1, s9;
	s10 =	sadd.s32 $0x10, s10;
	v5 =	vadd.f32 v63, v5  }
0x24c: {  	p0 =	sne.s32 s9, s5;
	s10 =	sand.u32 $0xF0, s10  }
.Ltmp3:
0x24d: {  	[tilespmem:s10+$0x2500] =	vst v5;
	(pc) =	sbr.rel @p0 .LBB2_1-.Ltmp3, $4  }
0x24e: {  	[hbm4b:s4+s2] =	stream.linear.scatter [tilespmem:s8], [sflag:$0x1], $0x200, $0x38;
	[tilespmem:$0x2600] =	vst v63  }
0x24f: {  	_ =	swait.ge [sflag:s6], $0x200  }
0x250: {  	[sflag:s6] =	ssyncset.done $0x0  }
0x251: {  	[sflag:s6] =	ssyncadd.s32 $0xFFFFFE00  }
0x252: {  	_ =	sfence.sel $0x180000  }
0x253: {  	[bflag:$0x0] =	sbarrier.arrive $0xFFFF  }
0x254: {  	p0 =	sne.s32 s1, $0x0;
	_ =	strace $0x90000047  }
0x255: {  	s0 =	sadd.s32 @!p0 $0x100000, s0;
	[bflag:$0x2] =	sbarrier.arrive $0xFFFF  }
0x256: {  	[sflag:s0] =	ssyncadd.tile.s32 @!p0 $0x1;
	_ =	shalt  }
.Lfunc_end2:
_tile_overlayer_lowered:
.L_overlay_start_2:
0x257: {  	(tag) =	ssettag $0x2  }
0x258: {  	s0 =	rddreg [dreg:$0x0];
	s2 =	stileid.u32  }
0x259: {  	s1 =	rddreg [dreg:$0x1];
	p0 =	sne.s32 s2, $0x0  }
0x25a: {  	s3 =	rddreg [dreg:$0x2];
	[bflag:$0x3] =	sbarrier.arrive $0xFFFF;
	s2 =	simm.s32 @!p0 $0x1C01  }
0x25b: {  	[timem:s3], [sflag:s2] =	dma.local @!p0 [hbm:s0], s1  }
0x25c: {  	s0 =	simm.s32 @!p0 $0x1  }
0x25d: {  	_ =	swait.ge @!p0 [sflag:s0], s1  }
0x25e: {  	s1 =	ssub.s32 @!p0 $0x0, s1;
	[sflag:s0] =	ssyncset.done @!p0 $0x0  }
0x25f: {  	[sflag:s0] =	ssyncadd.s32 @!p0 s1  }
0x260: {  	[bflag:$0x3] =	sbarrier.arrive $0xFFFF  }
0x261: {  	_ =	shalt  }

</sc_bundles>
